<compile_context>
chip_gen: v7x
topology: tpu7x:2x2x1
jax: 0.10.2.dev20260603
libtpu: 0.0.44.dev20260713+nightly
codegen_flags: <defaults>
</compile_context>

<pallas_src>
import functools

import jax
import jax.numpy as jnp
from jax import lax
from jax.experimental import pallas as pl
from jax.experimental.pallas import tpu as pltpu
from jax.experimental.pallas import tpu_sc as plsc

H = 16
NC, NS = 2, 16
NW = NC * NS
K = 128
ZR = 128
NB = 4


def _pre_body(x_ref, w1_ref, b1_ref, p_ref, q_ref):
    n, d = x_ref.shape
    npad = p_ref.shape[0]
    w1 = w1_ref[...]
    wb = w1[d:, :]
    wa = w1[:d, :] - wb
    x = x_ref[...]
    p = jnp.dot(x, wa, preferred_element_type=jnp.float32) + b1_ref[...]
    q = jnp.dot(x, wb, preferred_element_type=jnp.float32)
    pad = jnp.zeros((npad - n, p.shape[1]), jnp.float32)
    p_ref[...] = jnp.concatenate([p, pad], axis=0)
    q_ref[...] = jnp.concatenate([q, pad], axis=0)


def _post_body(s_ref, w2_ref, b2_ref, g_ref, beta_ref, y_ref):
    s = s_ref[0] + s_ref[1]
    out = jnp.dot(s, w2_ref[...], preferred_element_type=jnp.float32) + b2_ref[...]
    mu = jnp.mean(out, axis=-1, keepdims=True)
    var = jnp.mean((out - mu) ** 2, axis=-1, keepdims=True)
    y = (out - mu) / jnp.sqrt(var + 1e-5) * g_ref[...] + beta_ref[...]
    y_ref[...] = jnp.where(y >= 0, y, 0.01 * y)


def _make_sc_scatter(npad, cpt, nrows, ndump):
    assert cpt % NB == 0 and nrows == NW * cpt
    rows_per_tile = npad // NS
    assert rows_per_tile % ZR == 0

    mesh = plsc.VectorSubcoreMesh(core_axis_name="c", subcore_axis_name="s")

    @functools.partial(
        pl.kernel,
        out_type=jax.ShapeDtypeStruct((NC, npad, H), jnp.float32),
        mesh=mesh,
        scratch_types=(
            [pltpu.VMEM((cpt, K), jnp.int32)] * 2
            + [pltpu.VMEM((K, H), jnp.float32)] * NB
            + [pltpu.VMEM((K, H), jnp.float32)] * NB
            + [pltpu.VMEM((K, H), jnp.float32)] * NB
            + [pltpu.VMEM((ZR, H), jnp.float32)]
            + [pltpu.VMEM_SHARED((npad, H), jnp.float32)]
            + [pltpu.SemaphoreType.DMA] * NB
            + [pltpu.SemaphoreType.DMA] * NB
        ),
        compiler_params=pltpu.CompilerParams(use_tc_tiling_on_sc=False),
    )
    def sc_scatter(p_hbm, q_hbm, dst_hbm, src_hbm, out_hbm, dsti, srci, *rest):
        pbuf = rest[0:NB]
        qbuf = rest[NB:2 * NB]
        rbuf = rest[2 * NB:3 * NB]
        zbuf = rest[3 * NB]
        acc_sh = rest[3 * NB + 1]
        sem_g = rest[3 * NB + 2:3 * NB + 2 + NB]
        sem_s = rest[3 * NB + 2 + NB:3 * NB + 2 + 2 * NB]

        cid = lax.axis_index("c")
        sid = lax.axis_index("s")
        wid = cid * NS + sid

        pltpu.sync_copy(dst_hbm.at[pl.ds(wid * cpt, cpt)], dsti)
        pltpu.sync_copy(src_hbm.at[pl.ds(wid * cpt, cpt)], srci)

        def zfill(i, carry):
            zbuf[i, :] = jnp.zeros((H,), jnp.float32)
            return carry
        lax.fori_loop(0, ZR, zfill, 0)
        for j in range(rows_per_tile // ZR):
            pltpu.sync_copy(zbuf, acc_sh.at[pl.ds(sid * rows_per_tile + j * ZR, ZR)])
        plsc.subcore_barrier()

        for b in range(NB):
            pltpu.async_copy(p_hbm.at[dsti.at[b]], pbuf[b], sem_g[b])
            pltpu.async_copy(q_hbm.at[srci.at[b]], qbuf[b], sem_g[b])

        def group_body(g, carry):
            for b in range(NB):
                c = g * NB + b
                pltpu.make_async_copy(p_hbm.at[pl.ds(0, K)], pbuf[b], sem_g[b]).wait()
                pltpu.make_async_copy(q_hbm.at[pl.ds(0, K)], qbuf[b], sem_g[b]).wait()
                @pl.when(g > 0)
                def _():
                    pltpu.make_async_copy(
                        rbuf[b], acc_sh.at[pl.ds(0, K)], sem_s[b]).wait()

                def edge(i, icarry):
                    pc, qc = icarry
                    nxt = lax.bitwise_and(i + 1, K - 1)
                    pn = pbuf[b][nxt, :]
                    qn = qbuf[b][nxt, :]
                    z = pc + qc
                    rbuf[b][i, :] = jnp.maximum(z, 0.01 * z)
                    return pn, qn
                lax.fori_loop(0, K, edge,
                              (pbuf[b][0, :], qbuf[b][0, :]), unroll=8)

                @pl.when(g < cpt // NB - 1)
                def _():
                    pltpu.async_copy(p_hbm.at[dsti.at[c + NB]], pbuf[b], sem_g[b])
                    pltpu.async_copy(q_hbm.at[srci.at[c + NB]], qbuf[b], sem_g[b])
                pltpu.async_copy(rbuf[b], acc_sh.at[dsti.at[c]], sem_s[b], add=True)
            return carry
        lax.fori_loop(0, cpt // NB, group_body, 0)

        for b in range(NB):
            pltpu.make_async_copy(rbuf[b], acc_sh.at[pl.ds(0, K)], sem_s[b]).wait()

        plsc.subcore_barrier()
        row0 = sid * rows_per_tile
        pltpu.sync_copy(acc_sh.at[pl.ds(row0, rows_per_tile)],
                        out_hbm.at[cid, pl.ds(row0, rows_per_tile)])

    return sc_scatter


def kernel(task_features, task_edges, W1, b1, W2, b2, gamma, beta):
    n, d = task_features.shape
    e = task_edges.shape[1]

    npad = -(-(n + 1) // (NS * ZR)) * (NS * ZR)
    cpt = -(-e // (NW * K))
    cpt = -(-cpt // NB) * NB
    nrows = NW * cpt

    edges = jnp.pad(task_edges, ((0, 0), (0, nrows * K - e)),
                    constant_values=n)
    src2d = edges[0].reshape(nrows, K)
    dst2d = edges[1].reshape(nrows, K)

    p, q = pl.pallas_call(
        _pre_body,
        out_shape=[
            jax.ShapeDtypeStruct((npad, H), jnp.float32),
            jax.ShapeDtypeStruct((npad, H), jnp.float32),
        ],
    )(task_features, W1, b1.reshape(1, H))

    s_part = _make_sc_scatter(npad, cpt, nrows, n)(p, q, dst2d, src2d)

    y = pl.pallas_call(
        _post_body,
        out_shape=jax.ShapeDtypeStruct((npad, H), jnp.float32),
    )(s_part, W2, b2.reshape(1, H), gamma.reshape(1, H), beta.reshape(1, H))
    return y[:n]

# --- scband reference (transcript-rebuilt; emitter-appended) ---
"""Pipeline reference for scband-task-task-edge-conv-90881507983896 (READ-ONLY COPY).

The authoritative reference and input builder live on the scoring server;
editing this copy changes nothing except your own understanding.
"""

import jax, jax.numpy as jnp
import numpy as np

N, E, D, H = 10000, 320000, 128, 16

def _leaky(x, a=0.01):
    return jnp.where(x >= 0, x, a * x)

def setup_inputs(seed: int = 0) -> dict:
    key = jax.random.key(seed)
    ks = jax.random.split(key, 8)
    task_features = jax.random.normal(ks[0], (N, D), dtype=jnp.float32)
    task_edges = jax.random.randint(ks[1], (2, E), 0, N, dtype=jnp.int32)
    W1 = jax.random.normal(ks[2], (2 * D, H), dtype=jnp.float32) * (1.0 / np.sqrt(2 * D))
    b1 = jnp.zeros((H,), dtype=jnp.float32)
    W2 = jax.random.normal(ks[3], (H, H), dtype=jnp.float32) * (1.0 / np.sqrt(H))
    b2 = jnp.zeros((H,), dtype=jnp.float32)
    gamma = jnp.ones((H,), dtype=jnp.float32)
    beta = jnp.zeros((H,), dtype=jnp.float32)
    return {"task_features": task_features, "task_edges": task_edges, "W1": W1, "b1": b1, "W2": W2, "b2": b2, "gamma": gamma, "beta": beta}

def reference(task_features, task_edges, W1, b1, W2, b2, gamma, beta):
    n_nodes = task_features.shape[0]
    src = task_edges[0]
    dst = task_edges[1]
    # PyG EdgeConv (flow=source_to_target): x_i = x[dst], x_j = x[src]
    x_i = jnp.take(task_features, dst, axis=0)
    x_j = jnp.take(task_features, src, axis=0)
    m = jnp.concatenate([x_i, x_j - x_i], axis=-1)
    h = _leaky(m @ W1 + b1, 0.01)
    h = h @ W2 + b2
    # aggr='add': scatter-add messages at destination nodes
    out = jax.ops.segment_sum(h, dst, num_segments=n_nodes)
    # LayerNorm over last dim (torch uses biased variance, eps=1e-5)
    mu = jnp.mean(out, axis=-1, keepdims=True)
    var = jnp.mean((out - mu) ** 2, axis=-1, keepdims=True)
    y = (out - mu) / jnp.sqrt(var + 1e-5) * gamma + beta
    y = _leaky(y, 0.01)
    return y

if __name__ == "__main__":
    import jax
    _d = setup_inputs()
    print(jax.jit(kernel)(*tuple(_d.values())))

</pallas_src>

<mosaic_0001>
#map = affine_map<(d0, d1) -> (0, 0)>
#map1 = affine_map<(d0, d1) -> (0, 0, 0)>
module attributes {stable_mosaic.version = 14 : i64} {
  func.func @sc_scatter(%arg0: i32, %arg1: i32, %arg2: memref<10240x16xf32, #tpu.memory_space<hbm>>, %arg3: memref<10240x16xf32, #tpu.memory_space<hbm>>, %arg4: memref<2560x128xi32, #tpu.memory_space<hbm>>, %arg5: memref<2560x128xi32, #tpu.memory_space<hbm>>, %arg6: memref<2x10240x16xf32, #tpu.memory_space<hbm>>, %arg7: memref<80x128xi32, #tpu.memory_space<vmem>>, %arg8: memref<80x128xi32, #tpu.memory_space<vmem>>, %arg9: memref<128x16xf32, #tpu.memory_space<vmem>>, %arg10: memref<128x16xf32, #tpu.memory_space<vmem>>, %arg11: memref<128x16xf32, #tpu.memory_space<vmem>>, %arg12: memref<128x16xf32, #tpu.memory_space<vmem>>, %arg13: memref<128x16xf32, #tpu.memory_space<vmem>>, %arg14: memref<128x16xf32, #tpu.memory_space<vmem>>, %arg15: memref<128x16xf32, #tpu.memory_space<vmem>>, %arg16: memref<128x16xf32, #tpu.memory_space<vmem>>, %arg17: memref<128x16xf32, #tpu.memory_space<vmem>>, %arg18: memref<128x16xf32, #tpu.memory_space<vmem>>, %arg19: memref<128x16xf32, #tpu.memory_space<vmem>>, %arg20: memref<128x16xf32, #tpu.memory_space<vmem>>, %arg21: memref<128x16xf32, #tpu.memory_space<vmem>>, %arg22: memref<10240x16xf32, #tpu.memory_space<vmem_shared>>, %arg23: memref<!tpu.dma_semaphore, #tpu.memory_space<semaphore_mem>>, %arg24: memref<!tpu.dma_semaphore, #tpu.memory_space<semaphore_mem>>, %arg25: memref<!tpu.dma_semaphore, #tpu.memory_space<semaphore_mem>>, %arg26: memref<!tpu.dma_semaphore, #tpu.memory_space<semaphore_mem>>, %arg27: memref<!tpu.dma_semaphore, #tpu.memory_space<semaphore_mem>>, %arg28: memref<!tpu.dma_semaphore, #tpu.memory_space<semaphore_mem>>, %arg29: memref<!tpu.dma_semaphore, #tpu.memory_space<semaphore_mem>>, %arg30: memref<!tpu.dma_semaphore, #tpu.memory_space<semaphore_mem>>) attributes {dimension_semantics = [#tpu.dimension_semantics<core_parallel>, #tpu.dimension_semantics<subcore_parallel>], iteration_bounds = array<i64: 2, 16>, scalar_prefetch = 0 : i64, scratch_operands = 24 : i64, tpu.core_type = #tpu.core_type<sc_vector_subcore>, window_params = [{transform_indices = #map}, {transform_indices = #map}, {transform_indices = #map}, {transform_indices = #map}, {transform_indices = #map1}]} {
    %mul3A = arith.constant 16 : i32
    %mul3A_0 = arith.muli %arg0, %mul3A : i32
    %add3A = arith.addi %mul3A_0, %arg1 : i32
    %mul3A_1 = arith.constant 80 : i32
    %mul3A_2 = arith.muli %add3A, %mul3A_1 : i32
    "tpu.region"() ({
      %run_scoped3A = tpu.sem_alloc : memref<!tpu.dma_semaphore, #tpu.memory_space<semaphore_mem>>
      %dma_start3A_117 = arith.constant 0 : i32
      %dma_start3A_118 = tpu.memref_slice %arg4[%mul3A_2, %dma_start3A_117] : memref<2560x128xi32, #tpu.memory_space<hbm>> -> memref<80x128xi32, #tpu.memory_space<hbm>>
      %dma_start3A_119 = arith.constant 0 : i32
      %dma_start3A_120 = tpu.memref_slice %arg4[%mul3A_2, %dma_start3A_119] : memref<2560x128xi32, #tpu.memory_space<hbm>> -> memref<80x128xi32, #tpu.memory_space<hbm>>
      tpu.enqueue_dma source(%dma_start3A_120 : memref<80x128xi32, #tpu.memory_space<hbm>>) target(%arg7 : memref<80x128xi32, #tpu.memory_space<vmem>>) target_semaphore(%run_scoped3A : memref<!tpu.dma_semaphore, #tpu.memory_space<semaphore_mem>>)
      %dma_wait3A_121 = arith.constant 0 : i32
      %dma_wait3A_122 = tpu.memref_slice %arg4[%mul3A_2, %dma_wait3A_121] : memref<2560x128xi32, #tpu.memory_space<hbm>> -> memref<80x128xi32, #tpu.memory_space<hbm>>
      %dma_wait3A_123 = arith.constant 0 : i32
      %dma_wait3A_124 = tpu.memref_slice %arg4[%mul3A_2, %dma_wait3A_123] : memref<2560x128xi32, #tpu.memory_space<hbm>> -> memref<80x128xi32, #tpu.memory_space<hbm>>
      tpu.wait_dma2 semaphore(%run_scoped3A : memref<!tpu.dma_semaphore, #tpu.memory_space<semaphore_mem>>) src(%dma_wait3A_124 : memref<80x128xi32, #tpu.memory_space<hbm>>) dst(%arg7 : memref<80x128xi32, #tpu.memory_space<vmem>>)
      tpu.yield
    }) : () -> ()
    %mul3A_3 = arith.constant 80 : i32
    %mul3A_4 = arith.muli %add3A, %mul3A_3 : i32
    "tpu.region"() ({
      %run_scoped3A = tpu.sem_alloc : memref<!tpu.dma_semaphore, #tpu.memory_space<semaphore_mem>>
      %dma_start3A_117 = arith.constant 0 : i32
      %dma_start3A_118 = tpu.memref_slice %arg5[%mul3A_4, %dma_start3A_117] : memref<2560x128xi32, #tpu.memory_space<hbm>> -> memref<80x128xi32, #tpu.memory_space<hbm>>
      %dma_start3A_119 = arith.constant 0 : i32
      %dma_start3A_120 = tpu.memref_slice %arg5[%mul3A_4, %dma_start3A_119] : memref<2560x128xi32, #tpu.memory_space<hbm>> -> memref<80x128xi32, #tpu.memory_space<hbm>>
      tpu.enqueue_dma source(%dma_start3A_120 : memref<80x128xi32, #tpu.memory_space<hbm>>) target(%arg8 : memref<80x128xi32, #tpu.memory_space<vmem>>) target_semaphore(%run_scoped3A : memref<!tpu.dma_semaphore, #tpu.memory_space<semaphore_mem>>)
      %dma_wait3A_121 = arith.constant 0 : i32
      %dma_wait3A_122 = tpu.memref_slice %arg5[%mul3A_4, %dma_wait3A_121] : memref<2560x128xi32, #tpu.memory_space<hbm>> -> memref<80x128xi32, #tpu.memory_space<hbm>>
      %dma_wait3A_123 = arith.constant 0 : i32
      %dma_wait3A_124 = tpu.memref_slice %arg5[%mul3A_4, %dma_wait3A_123] : memref<2560x128xi32, #tpu.memory_space<hbm>> -> memref<80x128xi32, #tpu.memory_space<hbm>>
      tpu.wait_dma2 semaphore(%run_scoped3A : memref<!tpu.dma_semaphore, #tpu.memory_space<semaphore_mem>>) src(%dma_wait3A_124 : memref<80x128xi32, #tpu.memory_space<hbm>>) dst(%arg8 : memref<80x128xi32, #tpu.memory_space<vmem>>)
      tpu.yield
    }) : () -> ()
    %scan3A = arith.constant 0 : i32
    %scan3A_5 = arith.constant 0 : i32
    %scan3A_6 = arith.constant 128 : i32
    %scan3A_7 = arith.addi %scan3A_5, %scan3A_6 : i32
    %scan3A_8 = arith.constant 1 : i32
    scf.for %scan3A_117 = %scan3A_5 to %scan3A_7 step %scan3A_8  : i32 {
      %broadcast_in_dim3A = arith.constant 0.000000e+00 : f32
      %broadcast_in_dim3A_118 = vector.broadcast %broadcast_in_dim3A : f32 to vector<16xf32>
      %swap3A = arith.index_cast %scan3A_117 : i32 to index
      %swap3A_119 = arith.constant 0 : index
      %swap3A_120 = tpu.vector_load %arg21[%swap3A, %swap3A_119] {strides = array<i32>} : memref<128x16xf32, #tpu.memory_space<vmem>>, vector<1x16xf32>,
      %swap3A_121 = vector.shape_cast %swap3A_120 : vector<1x16xf32> to vector<16xf32>
      %swap3A_122 = vector.shape_cast %broadcast_in_dim3A_118 : vector<16xf32> to vector<1x16xf32>
      tpu.vector_store %arg21[%swap3A, %swap3A_119], %swap3A_122 {strides = array<i32>} : memref<128x16xf32, #tpu.memory_space<vmem>>, vector<1x16xf32>,
    }
    %scan3A_9 = arith.constant 128 : i32
    %mul3A_10 = arith.constant 640 : i32
    %mul3A_11 = arith.muli %arg1, %mul3A_10 : i32
    %add3A_12 = arith.constant 0 : i32
    %add3A_13 = arith.addi %mul3A_11, %add3A_12 : i32
    "tpu.region"() ({
      %run_scoped3A = tpu.sem_alloc : memref<!tpu.dma_semaphore, #tpu.memory_space<semaphore_mem>>
      %dma_start3A_117 = arith.constant 0 : i32
      %dma_start3A_118 = tpu.memref_slice %arg22[%add3A_13, %dma_start3A_117] : memref<10240x16xf32, #tpu.memory_space<vmem_shared>> -> memref<128x16xf32, #tpu.memory_space<vmem_shared>>
      %dma_start3A_119 = arith.constant 0 : i32
      %dma_start3A_120 = tpu.memref_slice %arg22[%add3A_13, %dma_start3A_119] : memref<10240x16xf32, #tpu.memory_space<vmem_shared>> -> memref<128x16xf32, #tpu.memory_space<vmem_shared>>
      tpu.enqueue_dma source(%arg21 : memref<128x16xf32, #tpu.memory_space<vmem>>) target(%dma_start3A_120 : memref<128x16xf32, #tpu.memory_space<vmem_shared>>) target_semaphore(%run_scoped3A : memref<!tpu.dma_semaphore, #tpu.memory_space<semaphore_mem>>)
      %dma_wait3A_121 = arith.constant 0 : i32
      %dma_wait3A_122 = tpu.memref_slice %arg22[%add3A_13, %dma_wait3A_121] : memref<10240x16xf32, #tpu.memory_space<vmem_shared>> -> memref<128x16xf32, #tpu.memory_space<vmem_shared>>
      %dma_wait3A_123 = arith.constant 0 : i32
      %dma_wait3A_124 = tpu.memref_slice %arg22[%add3A_13, %dma_wait3A_123] : memref<10240x16xf32, #tpu.memory_space<vmem_shared>> -> memref<128x16xf32, #tpu.memory_space<vmem_shared>>
      tpu.wait_dma2 semaphore(%run_scoped3A : memref<!tpu.dma_semaphore, #tpu.memory_space<semaphore_mem>>) src(%arg21 : memref<128x16xf32, #tpu.memory_space<vmem>>) dst(%dma_wait3A_124 : memref<128x16xf32, #tpu.memory_space<vmem_shared>>)
      tpu.yield
    }) : () -> ()
    %mul3A_14 = arith.constant 640 : i32
    %mul3A_15 = arith.muli %arg1, %mul3A_14 : i32
    %add3A_16 = arith.constant 128 : i32
    %add3A_17 = arith.addi %mul3A_15, %add3A_16 : i32
    "tpu.region"() ({
      %run_scoped3A = tpu.sem_alloc : memref<!tpu.dma_semaphore, #tpu.memory_space<semaphore_mem>>
      %dma_start3A_117 = arith.constant 0 : i32
      %dma_start3A_118 = tpu.memref_slice %arg22[%add3A_17, %dma_start3A_117] : memref<10240x16xf32, #tpu.memory_space<vmem_shared>> -> memref<128x16xf32, #tpu.memory_space<vmem_shared>>
      %dma_start3A_119 = arith.constant 0 : i32
      %dma_start3A_120 = tpu.memref_slice %arg22[%add3A_17, %dma_start3A_119] : memref<10240x16xf32, #tpu.memory_space<vmem_shared>> -> memref<128x16xf32, #tpu.memory_space<vmem_shared>>
      tpu.enqueue_dma source(%arg21 : memref<128x16xf32, #tpu.memory_space<vmem>>) target(%dma_start3A_120 : memref<128x16xf32, #tpu.memory_space<vmem_shared>>) target_semaphore(%run_scoped3A : memref<!tpu.dma_semaphore, #tpu.memory_space<semaphore_mem>>)
      %dma_wait3A_121 = arith.constant 0 : i32
      %dma_wait3A_122 = tpu.memref_slice %arg22[%add3A_17, %dma_wait3A_121] : memref<10240x16xf32, #tpu.memory_space<vmem_shared>> -> memref<128x16xf32, #tpu.memory_space<vmem_shared>>
      %dma_wait3A_123 = arith.constant 0 : i32
      %dma_wait3A_124 = tpu.memref_slice %arg22[%add3A_17, %dma_wait3A_123] : memref<10240x16xf32, #tpu.memory_space<vmem_shared>> -> memref<128x16xf32, #tpu.memory_space<vmem_shared>>
      tpu.wait_dma2 semaphore(%run_scoped3A : memref<!tpu.dma_semaphore, #tpu.memory_space<semaphore_mem>>) src(%arg21 : memref<128x16xf32, #tpu.memory_space<vmem>>) dst(%dma_wait3A_124 : memref<128x16xf32, #tpu.memory_space<vmem_shared>>)
      tpu.yield
    }) : () -> ()
    %mul3A_18 = arith.constant 640 : i32
    %mul3A_19 = arith.muli %arg1, %mul3A_18 : i32
    %add3A_20 = arith.constant 256 : i32
    %add3A_21 = arith.addi %mul3A_19, %add3A_20 : i32
    "tpu.region"() ({
      %run_scoped3A = tpu.sem_alloc : memref<!tpu.dma_semaphore, #tpu.memory_space<semaphore_mem>>
      %dma_start3A_117 = arith.constant 0 : i32
      %dma_start3A_118 = tpu.memref_slice %arg22[%add3A_21, %dma_start3A_117] : memref<10240x16xf32, #tpu.memory_space<vmem_shared>> -> memref<128x16xf32, #tpu.memory_space<vmem_shared>>
      %dma_start3A_119 = arith.constant 0 : i32
      %dma_start3A_120 = tpu.memref_slice %arg22[%add3A_21, %dma_start3A_119] : memref<10240x16xf32, #tpu.memory_space<vmem_shared>> -> memref<128x16xf32, #tpu.memory_space<vmem_shared>>
      tpu.enqueue_dma source(%arg21 : memref<128x16xf32, #tpu.memory_space<vmem>>) target(%dma_start3A_120 : memref<128x16xf32, #tpu.memory_space<vmem_shared>>) target_semaphore(%run_scoped3A : memref<!tpu.dma_semaphore, #tpu.memory_space<semaphore_mem>>)
      %dma_wait3A_121 = arith.constant 0 : i32
      %dma_wait3A_122 = tpu.memref_slice %arg22[%add3A_21, %dma_wait3A_121] : memref<10240x16xf32, #tpu.memory_space<vmem_shared>> -> memref<128x16xf32, #tpu.memory_space<vmem_shared>>
      %dma_wait3A_123 = arith.constant 0 : i32
      %dma_wait3A_124 = tpu.memref_slice %arg22[%add3A_21, %dma_wait3A_123] : memref<10240x16xf32, #tpu.memory_space<vmem_shared>> -> memref<128x16xf32, #tpu.memory_space<vmem_shared>>
      tpu.wait_dma2 semaphore(%run_scoped3A : memref<!tpu.dma_semaphore, #tpu.memory_space<semaphore_mem>>) src(%arg21 : memref<128x16xf32, #tpu.memory_space<vmem>>) dst(%dma_wait3A_124 : memref<128x16xf32, #tpu.memory_space<vmem_shared>>)
      tpu.yield
    }) : () -> ()
    %mul3A_22 = arith.constant 640 : i32
    %mul3A_23 = arith.muli %arg1, %mul3A_22 : i32
    %add3A_24 = arith.constant 384 : i32
    %add3A_25 = arith.addi %mul3A_23, %add3A_24 : i32
    "tpu.region"() ({
      %run_scoped3A = tpu.sem_alloc : memref<!tpu.dma_semaphore, #tpu.memory_space<semaphore_mem>>
      %dma_start3A_117 = arith.constant 0 : i32
      %dma_start3A_118 = tpu.memref_slice %arg22[%add3A_25, %dma_start3A_117] : memref<10240x16xf32, #tpu.memory_space<vmem_shared>> -> memref<128x16xf32, #tpu.memory_space<vmem_shared>>
      %dma_start3A_119 = arith.constant 0 : i32
      %dma_start3A_120 = tpu.memref_slice %arg22[%add3A_25, %dma_start3A_119] : memref<10240x16xf32, #tpu.memory_space<vmem_shared>> -> memref<128x16xf32, #tpu.memory_space<vmem_shared>>
      tpu.enqueue_dma source(%arg21 : memref<128x16xf32, #tpu.memory_space<vmem>>) target(%dma_start3A_120 : memref<128x16xf32, #tpu.memory_space<vmem_shared>>) target_semaphore(%run_scoped3A : memref<!tpu.dma_semaphore, #tpu.memory_space<semaphore_mem>>)
      %dma_wait3A_121 = arith.constant 0 : i32
      %dma_wait3A_122 = tpu.memref_slice %arg22[%add3A_25, %dma_wait3A_121] : memref<10240x16xf32, #tpu.memory_space<vmem_shared>> -> memref<128x16xf32, #tpu.memory_space<vmem_shared>>
      %dma_wait3A_123 = arith.constant 0 : i32
      %dma_wait3A_124 = tpu.memref_slice %arg22[%add3A_25, %dma_wait3A_123] : memref<10240x16xf32, #tpu.memory_space<vmem_shared>> -> memref<128x16xf32, #tpu.memory_space<vmem_shared>>
      tpu.wait_dma2 semaphore(%run_scoped3A : memref<!tpu.dma_semaphore, #tpu.memory_space<semaphore_mem>>) src(%arg21 : memref<128x16xf32, #tpu.memory_space<vmem>>) dst(%dma_wait3A_124 : memref<128x16xf32, #tpu.memory_space<vmem_shared>>)
      tpu.yield
    }) : () -> ()
    %mul3A_26 = arith.constant 640 : i32
    %mul3A_27 = arith.muli %arg1, %mul3A_26 : i32
    %add3A_28 = arith.constant 512 : i32
    %add3A_29 = arith.addi %mul3A_27, %add3A_28 : i32
    "tpu.region"() ({
      %run_scoped3A = tpu.sem_alloc : memref<!tpu.dma_semaphore, #tpu.memory_space<semaphore_mem>>
      %dma_start3A_117 = arith.constant 0 : i32
      %dma_start3A_118 = tpu.memref_slice %arg22[%add3A_29, %dma_start3A_117] : memref<10240x16xf32, #tpu.memory_space<vmem_shared>> -> memref<128x16xf32, #tpu.memory_space<vmem_shared>>
      %dma_start3A_119 = arith.constant 0 : i32
      %dma_start3A_120 = tpu.memref_slice %arg22[%add3A_29, %dma_start3A_119] : memref<10240x16xf32, #tpu.memory_space<vmem_shared>> -> memref<128x16xf32, #tpu.memory_space<vmem_shared>>
      tpu.enqueue_dma source(%arg21 : memref<128x16xf32, #tpu.memory_space<vmem>>) target(%dma_start3A_120 : memref<128x16xf32, #tpu.memory_space<vmem_shared>>) target_semaphore(%run_scoped3A : memref<!tpu.dma_semaphore, #tpu.memory_space<semaphore_mem>>)
      %dma_wait3A_121 = arith.constant 0 : i32
      %dma_wait3A_122 = tpu.memref_slice %arg22[%add3A_29, %dma_wait3A_121] : memref<10240x16xf32, #tpu.memory_space<vmem_shared>> -> memref<128x16xf32, #tpu.memory_space<vmem_shared>>
      %dma_wait3A_123 = arith.constant 0 : i32
      %dma_wait3A_124 = tpu.memref_slice %arg22[%add3A_29, %dma_wait3A_123] : memref<10240x16xf32, #tpu.memory_space<vmem_shared>> -> memref<128x16xf32, #tpu.memory_space<vmem_shared>>
      tpu.wait_dma2 semaphore(%run_scoped3A : memref<!tpu.dma_semaphore, #tpu.memory_space<semaphore_mem>>) src(%arg21 : memref<128x16xf32, #tpu.memory_space<vmem>>) dst(%dma_wait3A_124 : memref<128x16xf32, #tpu.memory_space<vmem_shared>>)
      tpu.yield
    }) : () -> ()
    %barrier3A = arith.constant 0 : index
    tpu.barrier barrier_id(%barrier3A)
    %dma_start3A = arith.constant 0 : i32
    %dma_start3A_30 = arith.constant 0 : i32
    %dma_start3A_31 = tpu.memref_slice %arg7[%dma_start3A, %dma_start3A_30] : memref<80x128xi32, #tpu.memory_space<vmem>> -> memref<1x128xi32, #tpu.memory_space<vmem>>
    %dma_start3A_32 = tpu.memref_squeeze %dma_start3A_31 : memref<1x128xi32, #tpu.memory_space<vmem>> -> memref<128xi32, #tpu.memory_space<vmem>>
    %dma_start3A_33 = arith.constant 0 : i32
    %dma_start3A_34 = arith.constant 0 : i32
    %dma_start3A_35 = tpu.memref_slice %arg2[%dma_start3A_33, %dma_start3A_34] : memref<10240x16xf32, #tpu.memory_space<hbm>> -> memref<10240x16xf32, #tpu.memory_space<hbm>>
    tpu.enqueue_indirect_dma source(%dma_start3A_35 : memref<10240x16xf32, #tpu.memory_space<hbm>>) target(%arg9 : memref<128x16xf32, #tpu.memory_space<vmem>>) offsets(%dma_start3A_32 : memref<128xi32, #tpu.memory_space<vmem>>) semaphore(%arg23 : memref<!tpu.dma_semaphore, #tpu.memory_space<semaphore_mem>>)
    %dma_start3A_36 = arith.constant 0 : i32
    %dma_start3A_37 = arith.constant 0 : i32
    %dma_start3A_38 = tpu.memref_slice %arg8[%dma_start3A_36, %dma_start3A_37] : memref<80x128xi32, #tpu.memory_space<vmem>> -> memref<1x128xi32, #tpu.memory_space<vmem>>
    %dma_start3A_39 = tpu.memref_squeeze %dma_start3A_38 : memref<1x128xi32, #tpu.memory_space<vmem>> -> memref<128xi32, #tpu.memory_space<vmem>>
    %dma_start3A_40 = arith.constant 0 : i32
    %dma_start3A_41 = arith.constant 0 : i32
    %dma_start3A_42 = tpu.memref_slice %arg3[%dma_start3A_40, %dma_start3A_41] : memref<10240x16xf32, #tpu.memory_space<hbm>> -> memref<10240x16xf32, #tpu.memory_space<hbm>>
    tpu.enqueue_indirect_dma source(%dma_start3A_42 : memref<10240x16xf32, #tpu.memory_space<hbm>>) target(%arg13 : memref<128x16xf32, #tpu.memory_space<vmem>>) offsets(%dma_start3A_39 : memref<128xi32, #tpu.memory_space<vmem>>) semaphore(%arg23 : memref<!tpu.dma_semaphore, #tpu.memory_space<semaphore_mem>>)
    %dma_start3A_43 = arith.constant 1 : i32
    %dma_start3A_44 = arith.constant 0 : i32
    %dma_start3A_45 = tpu.memref_slice %arg7[%dma_start3A_43, %dma_start3A_44] : memref<80x128xi32, #tpu.memory_space<vmem>> -> memref<1x128xi32, #tpu.memory_space<vmem>>
    %dma_start3A_46 = tpu.memref_squeeze %dma_start3A_45 : memref<1x128xi32, #tpu.memory_space<vmem>> -> memref<128xi32, #tpu.memory_space<vmem>>
    %dma_start3A_47 = arith.constant 0 : i32
    %dma_start3A_48 = arith.constant 0 : i32
    %dma_start3A_49 = tpu.memref_slice %arg2[%dma_start3A_47, %dma_start3A_48] : memref<10240x16xf32, #tpu.memory_space<hbm>> -> memref<10240x16xf32, #tpu.memory_space<hbm>>
    tpu.enqueue_indirect_dma source(%dma_start3A_49 : memref<10240x16xf32, #tpu.memory_space<hbm>>) target(%arg10 : memref<128x16xf32, #tpu.memory_space<vmem>>) offsets(%dma_start3A_46 : memref<128xi32, #tpu.memory_space<vmem>>) semaphore(%arg24 : memref<!tpu.dma_semaphore, #tpu.memory_space<semaphore_mem>>)
    %dma_start3A_50 = arith.constant 1 : i32
    %dma_start3A_51 = arith.constant 0 : i32
    %dma_start3A_52 = tpu.memref_slice %arg8[%dma_start3A_50, %dma_start3A_51] : memref<80x128xi32, #tpu.memory_space<vmem>> -> memref<1x128xi32, #tpu.memory_space<vmem>>
    %dma_start3A_53 = tpu.memref_squeeze %dma_start3A_52 : memref<1x128xi32, #tpu.memory_space<vmem>> -> memref<128xi32, #tpu.memory_space<vmem>>
    %dma_start3A_54 = arith.constant 0 : i32
    %dma_start3A_55 = arith.constant 0 : i32
    %dma_start3A_56 = tpu.memref_slice %arg3[%dma_start3A_54, %dma_start3A_55] : memref<10240x16xf32, #tpu.memory_space<hbm>> -> memref<10240x16xf32, #tpu.memory_space<hbm>>
    tpu.enqueue_indirect_dma source(%dma_start3A_56 : memref<10240x16xf32, #tpu.memory_space<hbm>>) target(%arg14 : memref<128x16xf32, #tpu.memory_space<vmem>>) offsets(%dma_start3A_53 : memref<128xi32, #tpu.memory_space<vmem>>) semaphore(%arg24 : memref<!tpu.dma_semaphore, #tpu.memory_space<semaphore_mem>>)
    %dma_start3A_57 = arith.constant 2 : i32
    %dma_start3A_58 = arith.constant 0 : i32
    %dma_start3A_59 = tpu.memref_slice %arg7[%dma_start3A_57, %dma_start3A_58] : memref<80x128xi32, #tpu.memory_space<vmem>> -> memref<1x128xi32, #tpu.memory_space<vmem>>
    %dma_start3A_60 = tpu.memref_squeeze %dma_start3A_59 : memref<1x128xi32, #tpu.memory_space<vmem>> -> memref<128xi32, #tpu.memory_space<vmem>>
    %dma_start3A_61 = arith.constant 0 : i32
    %dma_start3A_62 = arith.constant 0 : i32
    %dma_start3A_63 = tpu.memref_slice %arg2[%dma_start3A_61, %dma_start3A_62] : memref<10240x16xf32, #tpu.memory_space<hbm>> -> memref<10240x16xf32, #tpu.memory_space<hbm>>
    tpu.enqueue_indirect_dma source(%dma_start3A_63 : memref<10240x16xf32, #tpu.memory_space<hbm>>) target(%arg11 : memref<128x16xf32, #tpu.memory_space<vmem>>) offsets(%dma_start3A_60 : memref<128xi32, #tpu.memory_space<vmem>>) semaphore(%arg25 : memref<!tpu.dma_semaphore, #tpu.memory_space<semaphore_mem>>)
    %dma_start3A_64 = arith.constant 2 : i32
    %dma_start3A_65 = arith.constant 0 : i32
    %dma_start3A_66 = tpu.memref_slice %arg8[%dma_start3A_64, %dma_start3A_65] : memref<80x128xi32, #tpu.memory_space<vmem>> -> memref<1x128xi32, #tpu.memory_space<vmem>>
    %dma_start3A_67 = tpu.memref_squeeze %dma_start3A_66 : memref<1x128xi32, #tpu.memory_space<vmem>> -> memref<128xi32, #tpu.memory_space<vmem>>
    %dma_start3A_68 = arith.constant 0 : i32
    %dma_start3A_69 = arith.constant 0 : i32
    %dma_start3A_70 = tpu.memref_slice %arg3[%dma_start3A_68, %dma_start3A_69] : memref<10240x16xf32, #tpu.memory_space<hbm>> -> memref<10240x16xf32, #tpu.memory_space<hbm>>
    tpu.enqueue_indirect_dma source(%dma_start3A_70 : memref<10240x16xf32, #tpu.memory_space<hbm>>) target(%arg15 : memref<128x16xf32, #tpu.memory_space<vmem>>) offsets(%dma_start3A_67 : memref<128xi32, #tpu.memory_space<vmem>>) semaphore(%arg25 : memref<!tpu.dma_semaphore, #tpu.memory_space<semaphore_mem>>)
    %dma_start3A_71 = arith.constant 3 : i32
    %dma_start3A_72 = arith.constant 0 : i32
    %dma_start3A_73 = tpu.memref_slice %arg7[%dma_start3A_71, %dma_start3A_72] : memref<80x128xi32, #tpu.memory_space<vmem>> -> memref<1x128xi32, #tpu.memory_space<vmem>>
    %dma_start3A_74 = tpu.memref_squeeze %dma_start3A_73 : memref<1x128xi32, #tpu.memory_space<vmem>> -> memref<128xi32, #tpu.memory_space<vmem>>
    %dma_start3A_75 = arith.constant 0 : i32
    %dma_start3A_76 = arith.constant 0 : i32
    %dma_start3A_77 = tpu.memref_slice %arg2[%dma_start3A_75, %dma_start3A_76] : memref<10240x16xf32, #tpu.memory_space<hbm>> -> memref<10240x16xf32, #tpu.memory_space<hbm>>
    tpu.enqueue_indirect_dma source(%dma_start3A_77 : memref<10240x16xf32, #tpu.memory_space<hbm>>) target(%arg12 : memref<128x16xf32, #tpu.memory_space<vmem>>) offsets(%dma_start3A_74 : memref<128xi32, #tpu.memory_space<vmem>>) semaphore(%arg26 : memref<!tpu.dma_semaphore, #tpu.memory_space<semaphore_mem>>)
    %dma_start3A_78 = arith.constant 3 : i32
    %dma_start3A_79 = arith.constant 0 : i32
    %dma_start3A_80 = tpu.memref_slice %arg8[%dma_start3A_78, %dma_start3A_79] : memref<80x128xi32, #tpu.memory_space<vmem>> -> memref<1x128xi32, #tpu.memory_space<vmem>>
    %dma_start3A_81 = tpu.memref_squeeze %dma_start3A_80 : memref<1x128xi32, #tpu.memory_space<vmem>> -> memref<128xi32, #tpu.memory_space<vmem>>
    %dma_start3A_82 = arith.constant 0 : i32
    %dma_start3A_83 = arith.constant 0 : i32
    %dma_start3A_84 = tpu.memref_slice %arg3[%dma_start3A_82, %dma_start3A_83] : memref<10240x16xf32, #tpu.memory_space<hbm>> -> memref<10240x16xf32, #tpu.memory_space<hbm>>
    tpu.enqueue_indirect_dma source(%dma_start3A_84 : memref<10240x16xf32, #tpu.memory_space<hbm>>) target(%arg16 : memref<128x16xf32, #tpu.memory_space<vmem>>) offsets(%dma_start3A_81 : memref<128xi32, #tpu.memory_space<vmem>>) semaphore(%arg26 : memref<!tpu.dma_semaphore, #tpu.memory_space<semaphore_mem>>)
    %scan3A_85 = arith.constant 0 : i32
    %scan3A_86 = arith.constant 0 : i32
    %scan3A_87 = arith.constant 20 : i32
    %scan3A_88 = arith.addi %scan3A_86, %scan3A_87 : i32
    %scan3A_89 = arith.constant 1 : i32
    scf.for %scan3A_117 = %scan3A_86 to %scan3A_88 step %scan3A_89  : i32 {
      %mul3A_118 = arith.constant 4 : i32
      %mul3A_119 = arith.muli %scan3A_117, %mul3A_118 : i32
      %add3A_120 = arith.constant 0 : i32
      %add3A_121 = arith.addi %mul3A_119, %add3A_120 : i32
      %dma_wait3A_122 = arith.constant 0 : i32
      %dma_wait3A_123 = arith.constant 0 : i32
      %dma_wait3A_124 = tpu.memref_slice %arg2[%dma_wait3A_122, %dma_wait3A_123] : memref<10240x16xf32, #tpu.memory_space<hbm>> -> memref<128x16xf32, #tpu.memory_space<hbm>>
      %dma_wait3A_125 = arith.constant 0 : i32
      %dma_wait3A_126 = arith.constant 0 : i32
      %dma_wait3A_127 = tpu.memref_slice %arg2[%dma_wait3A_125, %dma_wait3A_126] : memref<10240x16xf32, #tpu.memory_space<hbm>> -> memref<128x16xf32, #tpu.memory_space<hbm>>
      tpu.wait_dma2 semaphore(%arg23 : memref<!tpu.dma_semaphore, #tpu.memory_space<semaphore_mem>>) src(%dma_wait3A_127 : memref<128x16xf32, #tpu.memory_space<hbm>>) dst(%arg9 : memref<128x16xf32, #tpu.memory_space<vmem>>)
      %dma_wait3A_128 = arith.constant 0 : i32
      %dma_wait3A_129 = arith.constant 0 : i32
      %dma_wait3A_130 = tpu.memref_slice %arg3[%dma_wait3A_128, %dma_wait3A_129] : memref<10240x16xf32, #tpu.memory_space<hbm>> -> memref<128x16xf32, #tpu.memory_space<hbm>>
      %dma_wait3A_131 = arith.constant 0 : i32
      %dma_wait3A_132 = arith.constant 0 : i32
      %dma_wait3A_133 = tpu.memref_slice %arg3[%dma_wait3A_131, %dma_wait3A_132] : memref<10240x16xf32, #tpu.memory_space<hbm>> -> memref<128x16xf32, #tpu.memory_space<hbm>>
      tpu.wait_dma2 semaphore(%arg23 : memref<!tpu.dma_semaphore, #tpu.memory_space<semaphore_mem>>) src(%dma_wait3A_133 : memref<128x16xf32, #tpu.memory_space<hbm>>) dst(%arg13 : memref<128x16xf32, #tpu.memory_space<vmem>>)
      %gt3A = arith.constant 0 : i32
      %gt3A_134 = arith.cmpi sgt, %scan3A_117, %gt3A : i32
      %convert_element_type3A = arith.extui %gt3A_134 : i1 to i32
      %cond3A = arith.constant 0 : i32
      %cond3A_135 = arith.cmpi ne, %convert_element_type3A, %cond3A : i32
      scf.if %cond3A_135 {
        %dma_wait3A_305 = arith.constant 0 : i32
        %dma_wait3A_306 = arith.constant 0 : i32
        %dma_wait3A_307 = tpu.memref_slice %arg22[%dma_wait3A_305, %dma_wait3A_306] : memref<10240x16xf32, #tpu.memory_space<vmem_shared>> -> memref<128x16xf32, #tpu.memory_space<vmem_shared>>
        %dma_wait3A_308 = arith.constant 0 : i32
        %dma_wait3A_309 = arith.constant 0 : i32
        %dma_wait3A_310 = tpu.memref_slice %arg22[%dma_wait3A_308, %dma_wait3A_309] : memref<10240x16xf32, #tpu.memory_space<vmem_shared>> -> memref<128x16xf32, #tpu.memory_space<vmem_shared>>
        tpu.wait_dma2 semaphore(%arg27 : memref<!tpu.dma_semaphore, #tpu.memory_space<semaphore_mem>>) src(%arg17 : memref<128x16xf32, #tpu.memory_space<vmem>>) dst(%dma_wait3A_310 : memref<128x16xf32, #tpu.memory_space<vmem_shared>>)
      } else {
      }
      %get3A = arith.constant 0 : i32
      %get3A_136 = arith.index_cast %get3A : i32 to index
      %get3A_137 = arith.constant 0 : index
      %get3A_138 = tpu.vector_load %arg9[%get3A_136, %get3A_137] {strides = array<i32>} : memref<128x16xf32, #tpu.memory_space<vmem>>, vector<1x16xf32>,
      %get3A_139 = vector.shape_cast %get3A_138 : vector<1x16xf32> to vector<16xf32>
      %get3A_140 = arith.constant 0 : i32
      %get3A_141 = arith.index_cast %get3A_140 : i32 to index
      %get3A_142 = arith.constant 0 : index
      %get3A_143 = tpu.vector_load %arg13[%get3A_141, %get3A_142] {strides = array<i32>} : memref<128x16xf32, #tpu.memory_space<vmem>>, vector<1x16xf32>,
      %get3A_144 = vector.shape_cast %get3A_143 : vector<1x16xf32> to vector<16xf32>
      %scan3A_145 = arith.constant 0 : i32
      %scan3A_146 = arith.constant 128 : i32
      %scan3A_147 = arith.addi %scan3A_145, %scan3A_146 : i32
      %scan3A_148 = arith.constant 8 : i32
      %scan3A_149:2 = scf.for %scan3A_305 = %scan3A_145 to %scan3A_147 step %scan3A_148 iter_args(%scan3A_306 = %get3A_139, %scan3A_307 = %get3A_144) -> (vector<16xf32>, vector<16xf32>)  : i32 {
        %add3A_308 = arith.constant 1 : i32
        %add3A_309 = arith.addi %scan3A_305, %add3A_308 : i32
        %and3A = arith.constant 127 : i32
        %and3A_310 = arith.andi %add3A_309, %and3A : i32
        %get3A_311 = arith.index_cast %and3A_310 : i32 to index
        %get3A_312 = arith.constant 0 : index
        %get3A_313 = tpu.vector_load %arg9[%get3A_311, %get3A_312] {strides = array<i32>} : memref<128x16xf32, #tpu.memory_space<vmem>>, vector<1x16xf32>,
        %get3A_314 = vector.shape_cast %get3A_313 : vector<1x16xf32> to vector<16xf32>
        %get3A_315 = arith.index_cast %and3A_310 : i32 to index
        %get3A_316 = arith.constant 0 : index
        %get3A_317 = tpu.vector_load %arg13[%get3A_315, %get3A_316] {strides = array<i32>} : memref<128x16xf32, #tpu.memory_space<vmem>>, vector<1x16xf32>,
        %get3A_318 = vector.shape_cast %get3A_317 : vector<1x16xf32> to vector<16xf32>
        %add3A_319 = arith.addf %scan3A_306, %scan3A_307 : vector<16xf32>
        %mul3A_320 = arith.constant 0.00999999977 : f32
        %mul3A_321 = vector.broadcast %mul3A_320 : f32 to vector<16xf32>
        %mul3A_322 = arith.mulf %mul3A_321, %add3A_319 : vector<16xf32>
        %max3A = arith.maximumf %add3A_319, %mul3A_322 : vector<16xf32>
        %swap3A = arith.index_cast %scan3A_305 : i32 to index
        %swap3A_323 = arith.constant 0 : index
        %swap3A_324 = tpu.vector_load %arg17[%swap3A, %swap3A_323] {strides = array<i32>} : memref<128x16xf32, #tpu.memory_space<vmem>>, vector<1x16xf32>,
        %swap3A_325 = vector.shape_cast %swap3A_324 : vector<1x16xf32> to vector<16xf32>
        %swap3A_326 = vector.shape_cast %max3A : vector<16xf32> to vector<1x16xf32>
        tpu.vector_store %arg17[%swap3A, %swap3A_323], %swap3A_326 {strides = array<i32>} : memref<128x16xf32, #tpu.memory_space<vmem>>, vector<1x16xf32>,
        %scan3A_327 = arith.constant 1 : i32
        %scan3A_328 = arith.addi %scan3A_305, %scan3A_327 : i32
        %add3A_329 = arith.constant 1 : i32
        %add3A_330 = arith.addi %scan3A_328, %add3A_329 : i32
        %and3A_331 = arith.constant 127 : i32
        %and3A_332 = arith.andi %add3A_330, %and3A_331 : i32
        %get3A_333 = arith.index_cast %and3A_332 : i32 to index
        %get3A_334 = arith.constant 0 : index
        %get3A_335 = tpu.vector_load %arg9[%get3A_333, %get3A_334] {strides = array<i32>} : memref<128x16xf32, #tpu.memory_space<vmem>>, vector<1x16xf32>,
        %get3A_336 = vector.shape_cast %get3A_335 : vector<1x16xf32> to vector<16xf32>
        %get3A_337 = arith.index_cast %and3A_332 : i32 to index
        %get3A_338 = arith.constant 0 : index
        %get3A_339 = tpu.vector_load %arg13[%get3A_337, %get3A_338] {strides = array<i32>} : memref<128x16xf32, #tpu.memory_space<vmem>>, vector<1x16xf32>,
        %get3A_340 = vector.shape_cast %get3A_339 : vector<1x16xf32> to vector<16xf32>
        %add3A_341 = arith.addf %get3A_314, %get3A_318 : vector<16xf32>
        %mul3A_342 = arith.constant 0.00999999977 : f32
        %mul3A_343 = vector.broadcast %mul3A_342 : f32 to vector<16xf32>
        %mul3A_344 = arith.mulf %mul3A_343, %add3A_341 : vector<16xf32>
        %max3A_345 = arith.maximumf %add3A_341, %mul3A_344 : vector<16xf32>
        %swap3A_346 = arith.index_cast %scan3A_328 : i32 to index
        %swap3A_347 = arith.constant 0 : index
        %swap3A_348 = tpu.vector_load %arg17[%swap3A_346, %swap3A_347] {strides = array<i32>} : memref<128x16xf32, #tpu.memory_space<vmem>>, vector<1x16xf32>,
        %swap3A_349 = vector.shape_cast %swap3A_348 : vector<1x16xf32> to vector<16xf32>
        %swap3A_350 = vector.shape_cast %max3A_345 : vector<16xf32> to vector<1x16xf32>
        tpu.vector_store %arg17[%swap3A_346, %swap3A_347], %swap3A_350 {strides = array<i32>} : memref<128x16xf32, #tpu.memory_space<vmem>>, vector<1x16xf32>,
        %scan3A_351 = arith.constant 2 : i32
        %scan3A_352 = arith.addi %scan3A_305, %scan3A_351 : i32
        %add3A_353 = arith.constant 1 : i32
        %add3A_354 = arith.addi %scan3A_352, %add3A_353 : i32
        %and3A_355 = arith.constant 127 : i32
        %and3A_356 = arith.andi %add3A_354, %and3A_355 : i32
        %get3A_357 = arith.index_cast %and3A_356 : i32 to index
        %get3A_358 = arith.constant 0 : index
        %get3A_359 = tpu.vector_load %arg9[%get3A_357, %get3A_358] {strides = array<i32>} : memref<128x16xf32, #tpu.memory_space<vmem>>, vector<1x16xf32>,
        %get3A_360 = vector.shape_cast %get3A_359 : vector<1x16xf32> to vector<16xf32>
        %get3A_361 = arith.index_cast %and3A_356 : i32 to index
        %get3A_362 = arith.constant 0 : index
        %get3A_363 = tpu.vector_load %arg13[%get3A_361, %get3A_362] {strides = array<i32>} : memref<128x16xf32, #tpu.memory_space<vmem>>, vector<1x16xf32>,
        %get3A_364 = vector.shape_cast %get3A_363 : vector<1x16xf32> to vector<16xf32>
        %add3A_365 = arith.addf %get3A_336, %get3A_340 : vector<16xf32>
        %mul3A_366 = arith.constant 0.00999999977 : f32
        %mul3A_367 = vector.broadcast %mul3A_366 : f32 to vector<16xf32>
        %mul3A_368 = arith.mulf %mul3A_367, %add3A_365 : vector<16xf32>
        %max3A_369 = arith.maximumf %add3A_365, %mul3A_368 : vector<16xf32>
        %swap3A_370 = arith.index_cast %scan3A_352 : i32 to index
        %swap3A_371 = arith.constant 0 : index
        %swap3A_372 = tpu.vector_load %arg17[%swap3A_370, %swap3A_371] {strides = array<i32>} : memref<128x16xf32, #tpu.memory_space<vmem>>, vector<1x16xf32>,
        %swap3A_373 = vector.shape_cast %swap3A_372 : vector<1x16xf32> to vector<16xf32>
        %swap3A_374 = vector.shape_cast %max3A_369 : vector<16xf32> to vector<1x16xf32>
        tpu.vector_store %arg17[%swap3A_370, %swap3A_371], %swap3A_374 {strides = array<i32>} : memref<128x16xf32, #tpu.memory_space<vmem>>, vector<1x16xf32>,
        %scan3A_375 = arith.constant 3 : i32
        %scan3A_376 = arith.addi %scan3A_305, %scan3A_375 : i32
        %add3A_377 = arith.constant 1 : i32
        %add3A_378 = arith.addi %scan3A_376, %add3A_377 : i32
        %and3A_379 = arith.constant 127 : i32
        %and3A_380 = arith.andi %add3A_378, %and3A_379 : i32
        %get3A_381 = arith.index_cast %and3A_380 : i32 to index
        %get3A_382 = arith.constant 0 : index
        %get3A_383 = tpu.vector_load %arg9[%get3A_381, %get3A_382] {strides = array<i32>} : memref<128x16xf32, #tpu.memory_space<vmem>>, vector<1x16xf32>,
        %get3A_384 = vector.shape_cast %get3A_383 : vector<1x16xf32> to vector<16xf32>
        %get3A_385 = arith.index_cast %and3A_380 : i32 to index
        %get3A_386 = arith.constant 0 : index
        %get3A_387 = tpu.vector_load %arg13[%get3A_385, %get3A_386] {strides = array<i32>} : memref<128x16xf32, #tpu.memory_space<vmem>>, vector<1x16xf32>,
        %get3A_388 = vector.shape_cast %get3A_387 : vector<1x16xf32> to vector<16xf32>
        %add3A_389 = arith.addf %get3A_360, %get3A_364 : vector<16xf32>
        %mul3A_390 = arith.constant 0.00999999977 : f32
        %mul3A_391 = vector.broadcast %mul3A_390 : f32 to vector<16xf32>
        %mul3A_392 = arith.mulf %mul3A_391, %add3A_389 : vector<16xf32>
        %max3A_393 = arith.maximumf %add3A_389, %mul3A_392 : vector<16xf32>
        %swap3A_394 = arith.index_cast %scan3A_376 : i32 to index
        %swap3A_395 = arith.constant 0 : index
        %swap3A_396 = tpu.vector_load %arg17[%swap3A_394, %swap3A_395] {strides = array<i32>} : memref<128x16xf32, #tpu.memory_space<vmem>>, vector<1x16xf32>,
        %swap3A_397 = vector.shape_cast %swap3A_396 : vector<1x16xf32> to vector<16xf32>
        %swap3A_398 = vector.shape_cast %max3A_393 : vector<16xf32> to vector<1x16xf32>
        tpu.vector_store %arg17[%swap3A_394, %swap3A_395], %swap3A_398 {strides = array<i32>} : memref<128x16xf32, #tpu.memory_space<vmem>>, vector<1x16xf32>,
        %scan3A_399 = arith.constant 4 : i32
        %scan3A_400 = arith.addi %scan3A_305, %scan3A_399 : i32
        %add3A_401 = arith.constant 1 : i32
        %add3A_402 = arith.addi %scan3A_400, %add3A_401 : i32
        %and3A_403 = arith.constant 127 : i32
        %and3A_404 = arith.andi %add3A_402, %and3A_403 : i32
        %get3A_405 = arith.index_cast %and3A_404 : i32 to index
        %get3A_406 = arith.constant 0 : index
        %get3A_407 = tpu.vector_load %arg9[%get3A_405, %get3A_406] {strides = array<i32>} : memref<128x16xf32, #tpu.memory_space<vmem>>, vector<1x16xf32>,
        %get3A_408 = vector.shape_cast %get3A_407 : vector<1x16xf32> to vector<16xf32>
        %get3A_409 = arith.index_cast %and3A_404 : i32 to index
        %get3A_410 = arith.constant 0 : index
        %get3A_411 = tpu.vector_load %arg13[%get3A_409, %get3A_410] {strides = array<i32>} : memref<128x16xf32, #tpu.memory_space<vmem>>, vector<1x16xf32>,
        %get3A_412 = vector.shape_cast %get3A_411 : vector<1x16xf32> to vector<16xf32>
        %add3A_413 = arith.addf %get3A_384, %get3A_388 : vector<16xf32>
        %mul3A_414 = arith.constant 0.00999999977 : f32
        %mul3A_415 = vector.broadcast %mul3A_414 : f32 to vector<16xf32>
        %mul3A_416 = arith.mulf %mul3A_415, %add3A_413 : vector<16xf32>
        %max3A_417 = arith.maximumf %add3A_413, %mul3A_416 : vector<16xf32>
        %swap3A_418 = arith.index_cast %scan3A_400 : i32 to index
        %swap3A_419 = arith.constant 0 : index
        %swap3A_420 = tpu.vector_load %arg17[%swap3A_418, %swap3A_419] {strides = array<i32>} : memref<128x16xf32, #tpu.memory_space<vmem>>, vector<1x16xf32>,
        %swap3A_421 = vector.shape_cast %swap3A_420 : vector<1x16xf32> to vector<16xf32>
        %swap3A_422 = vector.shape_cast %max3A_417 : vector<16xf32> to vector<1x16xf32>
        tpu.vector_store %arg17[%swap3A_418, %swap3A_419], %swap3A_422 {strides = array<i32>} : memref<128x16xf32, #tpu.memory_space<vmem>>, vector<1x16xf32>,
        %scan3A_423 = arith.constant 5 : i32
        %scan3A_424 = arith.addi %scan3A_305, %scan3A_423 : i32
        %add3A_425 = arith.constant 1 : i32
        %add3A_426 = arith.addi %scan3A_424, %add3A_425 : i32
        %and3A_427 = arith.constant 127 : i32
        %and3A_428 = arith.andi %add3A_426, %and3A_427 : i32
        %get3A_429 = arith.index_cast %and3A_428 : i32 to index
        %get3A_430 = arith.constant 0 : index
        %get3A_431 = tpu.vector_load %arg9[%get3A_429, %get3A_430] {strides = array<i32>} : memref<128x16xf32, #tpu.memory_space<vmem>>, vector<1x16xf32>,
        %get3A_432 = vector.shape_cast %get3A_431 : vector<1x16xf32> to vector<16xf32>
        %get3A_433 = arith.index_cast %and3A_428 : i32 to index
        %get3A_434 = arith.constant 0 : index
        %get3A_435 = tpu.vector_load %arg13[%get3A_433, %get3A_434] {strides = array<i32>} : memref<128x16xf32, #tpu.memory_space<vmem>>, vector<1x16xf32>,
        %get3A_436 = vector.shape_cast %get3A_435 : vector<1x16xf32> to vector<16xf32>
        %add3A_437 = arith.addf %get3A_408, %get3A_412 : vector<16xf32>
        %mul3A_438 = arith.constant 0.00999999977 : f32
        %mul3A_439 = vector.broadcast %mul3A_438 : f32 to vector<16xf32>
        %mul3A_440 = arith.mulf %mul3A_439, %add3A_437 : vector<16xf32>
        %max3A_441 = arith.maximumf %add3A_437, %mul3A_440 : vector<16xf32>
        %swap3A_442 = arith.index_cast %scan3A_424 : i32 to index
        %swap3A_443 = arith.constant 0 : index
        %swap3A_444 = tpu.vector_load %arg17[%swap3A_442, %swap3A_443] {strides = array<i32>} : memref<128x16xf32, #tpu.memory_space<vmem>>, vector<1x16xf32>,
        %swap3A_445 = vector.shape_cast %swap3A_444 : vector<1x16xf32> to vector<16xf32>
        %swap3A_446 = vector.shape_cast %max3A_441 : vector<16xf32> to vector<1x16xf32>
        tpu.vector_store %arg17[%swap3A_442, %swap3A_443], %swap3A_446 {strides = array<i32>} : memref<128x16xf32, #tpu.memory_space<vmem>>, vector<1x16xf32>,
        %scan3A_447 = arith.constant 6 : i32
        %scan3A_448 = arith.addi %scan3A_305, %scan3A_447 : i32
        %add3A_449 = arith.constant 1 : i32
        %add3A_450 = arith.addi %scan3A_448, %add3A_449 : i32
        %and3A_451 = arith.constant 127 : i32
        %and3A_452 = arith.andi %add3A_450, %and3A_451 : i32
        %get3A_453 = arith.index_cast %and3A_452 : i32 to index
        %get3A_454 = arith.constant 0 : index
        %get3A_455 = tpu.vector_load %arg9[%get3A_453, %get3A_454] {strides = array<i32>} : memref<128x16xf32, #tpu.memory_space<vmem>>, vector<1x16xf32>,
        %get3A_456 = vector.shape_cast %get3A_455 : vector<1x16xf32> to vector<16xf32>
        %get3A_457 = arith.index_cast %and3A_452 : i32 to index
        %get3A_458 = arith.constant 0 : index
        %get3A_459 = tpu.vector_load %arg13[%get3A_457, %get3A_458] {strides = array<i32>} : memref<128x16xf32, #tpu.memory_space<vmem>>, vector<1x16xf32>,
        %get3A_460 = vector.shape_cast %get3A_459 : vector<1x16xf32> to vector<16xf32>
        %add3A_461 = arith.addf %get3A_432, %get3A_436 : vector<16xf32>
        %mul3A_462 = arith.constant 0.00999999977 : f32
        %mul3A_463 = vector.broadcast %mul3A_462 : f32 to vector<16xf32>
        %mul3A_464 = arith.mulf %mul3A_463, %add3A_461 : vector<16xf32>
        %max3A_465 = arith.maximumf %add3A_461, %mul3A_464 : vector<16xf32>
        %swap3A_466 = arith.index_cast %scan3A_448 : i32 to index
        %swap3A_467 = arith.constant 0 : index
        %swap3A_468 = tpu.vector_load %arg17[%swap3A_466, %swap3A_467] {strides = array<i32>} : memref<128x16xf32, #tpu.memory_space<vmem>>, vector<1x16xf32>,
        %swap3A_469 = vector.shape_cast %swap3A_468 : vector<1x16xf32> to vector<16xf32>
        %swap3A_470 = vector.shape_cast %max3A_465 : vector<16xf32> to vector<1x16xf32>
        tpu.vector_store %arg17[%swap3A_466, %swap3A_467], %swap3A_470 {strides = array<i32>} : memref<128x16xf32, #tpu.memory_space<vmem>>, vector<1x16xf32>,
        %scan3A_471 = arith.constant 7 : i32
        %scan3A_472 = arith.addi %scan3A_305, %scan3A_471 : i32
        %add3A_473 = arith.constant 1 : i32
        %add3A_474 = arith.addi %scan3A_472, %add3A_473 : i32
        %and3A_475 = arith.constant 127 : i32
        %and3A_476 = arith.andi %add3A_474, %and3A_475 : i32
        %get3A_477 = arith.index_cast %and3A_476 : i32 to index
        %get3A_478 = arith.constant 0 : index
        %get3A_479 = tpu.vector_load %arg9[%get3A_477, %get3A_478] {strides = array<i32>} : memref<128x16xf32, #tpu.memory_space<vmem>>, vector<1x16xf32>,
        %get3A_480 = vector.shape_cast %get3A_479 : vector<1x16xf32> to vector<16xf32>
        %get3A_481 = arith.index_cast %and3A_476 : i32 to index
        %get3A_482 = arith.constant 0 : index
        %get3A_483 = tpu.vector_load %arg13[%get3A_481, %get3A_482] {strides = array<i32>} : memref<128x16xf32, #tpu.memory_space<vmem>>, vector<1x16xf32>,
        %get3A_484 = vector.shape_cast %get3A_483 : vector<1x16xf32> to vector<16xf32>
        %add3A_485 = arith.addf %get3A_456, %get3A_460 : vector<16xf32>
        %mul3A_486 = arith.constant 0.00999999977 : f32
        %mul3A_487 = vector.broadcast %mul3A_486 : f32 to vector<16xf32>
        %mul3A_488 = arith.mulf %mul3A_487, %add3A_485 : vector<16xf32>
        %max3A_489 = arith.maximumf %add3A_485, %mul3A_488 : vector<16xf32>
        %swap3A_490 = arith.index_cast %scan3A_472 : i32 to index
        %swap3A_491 = arith.constant 0 : index
        %swap3A_492 = tpu.vector_load %arg17[%swap3A_490, %swap3A_491] {strides = array<i32>} : memref<128x16xf32, #tpu.memory_space<vmem>>, vector<1x16xf32>,
        %swap3A_493 = vector.shape_cast %swap3A_492 : vector<1x16xf32> to vector<16xf32>
        %swap3A_494 = vector.shape_cast %max3A_489 : vector<16xf32> to vector<1x16xf32>
        tpu.vector_store %arg17[%swap3A_490, %swap3A_491], %swap3A_494 {strides = array<i32>} : memref<128x16xf32, #tpu.memory_space<vmem>>, vector<1x16xf32>,
        scf.yield %get3A_480, %get3A_484 : vector<16xf32>, vector<16xf32>
      }
      %scan3A_150 = arith.constant 128 : i32
      %lt3A = arith.constant 19 : i32
      %lt3A_151 = arith.cmpi slt, %scan3A_117, %lt3A : i32
      %convert_element_type3A_152 = arith.extui %lt3A_151 : i1 to i32
      %cond3A_153 = arith.constant 0 : i32
      %cond3A_154 = arith.cmpi ne, %convert_element_type3A_152, %cond3A_153 : i32
      scf.if %cond3A_154 {
        %add3A_305 = arith.constant 4 : i32
        %add3A_306 = arith.addi %add3A_121, %add3A_305 : i32
        %dma_start3A_307 = arith.constant 0 : i32
        %dma_start3A_308 = tpu.memref_slice %arg7[%add3A_306, %dma_start3A_307] : memref<80x128xi32, #tpu.memory_space<vmem>> -> memref<1x128xi32, #tpu.memory_space<vmem>>
        %dma_start3A_309 = tpu.memref_squeeze %dma_start3A_308 : memref<1x128xi32, #tpu.memory_space<vmem>> -> memref<128xi32, #tpu.memory_space<vmem>>
        %dma_start3A_310 = arith.constant 0 : i32
        %dma_start3A_311 = arith.constant 0 : i32
        %dma_start3A_312 = tpu.memref_slice %arg2[%dma_start3A_310, %dma_start3A_311] : memref<10240x16xf32, #tpu.memory_space<hbm>> -> memref<10240x16xf32, #tpu.memory_space<hbm>>
        tpu.enqueue_indirect_dma source(%dma_start3A_312 : memref<10240x16xf32, #tpu.memory_space<hbm>>) target(%arg9 : memref<128x16xf32, #tpu.memory_space<vmem>>) offsets(%dma_start3A_309 : memref<128xi32, #tpu.memory_space<vmem>>) semaphore(%arg23 : memref<!tpu.dma_semaphore, #tpu.memory_space<semaphore_mem>>)
        %add3A_313 = arith.constant 4 : i32
        %add3A_314 = arith.addi %add3A_121, %add3A_313 : i32
        %dma_start3A_315 = arith.constant 0 : i32
        %dma_start3A_316 = tpu.memref_slice %arg8[%add3A_314, %dma_start3A_315] : memref<80x128xi32, #tpu.memory_space<vmem>> -> memref<1x128xi32, #tpu.memory_space<vmem>>
        %dma_start3A_317 = tpu.memref_squeeze %dma_start3A_316 : memref<1x128xi32, #tpu.memory_space<vmem>> -> memref<128xi32, #tpu.memory_space<vmem>>
        %dma_start3A_318 = arith.constant 0 : i32
        %dma_start3A_319 = arith.constant 0 : i32
        %dma_start3A_320 = tpu.memref_slice %arg3[%dma_start3A_318, %dma_start3A_319] : memref<10240x16xf32, #tpu.memory_space<hbm>> -> memref<10240x16xf32, #tpu.memory_space<hbm>>
        tpu.enqueue_indirect_dma source(%dma_start3A_320 : memref<10240x16xf32, #tpu.memory_space<hbm>>) target(%arg13 : memref<128x16xf32, #tpu.memory_space<vmem>>) offsets(%dma_start3A_317 : memref<128xi32, #tpu.memory_space<vmem>>) semaphore(%arg23 : memref<!tpu.dma_semaphore, #tpu.memory_space<semaphore_mem>>)
      } else {
      }
      %dma_start3A_155 = arith.constant 0 : i32
      %dma_start3A_156 = tpu.memref_slice %arg7[%add3A_121, %dma_start3A_155] : memref<80x128xi32, #tpu.memory_space<vmem>> -> memref<1x128xi32, #tpu.memory_space<vmem>>
      %dma_start3A_157 = tpu.memref_squeeze %dma_start3A_156 : memref<1x128xi32, #tpu.memory_space<vmem>> -> memref<128xi32, #tpu.memory_space<vmem>>
      %dma_start3A_158 = arith.constant 0 : i32
      %dma_start3A_159 = arith.constant 0 : i32
      %dma_start3A_160 = tpu.memref_slice %arg22[%dma_start3A_158, %dma_start3A_159] : memref<10240x16xf32, #tpu.memory_space<vmem_shared>> -> memref<10240x16xf32, #tpu.memory_space<vmem_shared>>
      tpu.enqueue_indirect_dma source(%arg17 : memref<128x16xf32, #tpu.memory_space<vmem>>) target(%dma_start3A_160 : memref<10240x16xf32, #tpu.memory_space<vmem_shared>>) offsets(%dma_start3A_157 : memref<128xi32, #tpu.memory_space<vmem>>) semaphore(%arg27 : memref<!tpu.dma_semaphore, #tpu.memory_space<semaphore_mem>>) {add = true}
      %mul3A_161 = arith.constant 4 : i32
      %mul3A_162 = arith.muli %scan3A_117, %mul3A_161 : i32
      %add3A_163 = arith.constant 1 : i32
      %add3A_164 = arith.addi %mul3A_162, %add3A_163 : i32
      %dma_wait3A_165 = arith.constant 0 : i32
      %dma_wait3A_166 = arith.constant 0 : i32
      %dma_wait3A_167 = tpu.memref_slice %arg2[%dma_wait3A_165, %dma_wait3A_166] : memref<10240x16xf32, #tpu.memory_space<hbm>> -> memref<128x16xf32, #tpu.memory_space<hbm>>
      %dma_wait3A_168 = arith.constant 0 : i32
      %dma_wait3A_169 = arith.constant 0 : i32
      %dma_wait3A_170 = tpu.memref_slice %arg2[%dma_wait3A_168, %dma_wait3A_169] : memref<10240x16xf32, #tpu.memory_space<hbm>> -> memref<128x16xf32, #tpu.memory_space<hbm>>
      tpu.wait_dma2 semaphore(%arg24 : memref<!tpu.dma_semaphore, #tpu.memory_space<semaphore_mem>>) src(%dma_wait3A_170 : memref<128x16xf32, #tpu.memory_space<hbm>>) dst(%arg10 : memref<128x16xf32, #tpu.memory_space<vmem>>)
      %dma_wait3A_171 = arith.constant 0 : i32
      %dma_wait3A_172 = arith.constant 0 : i32
      %dma_wait3A_173 = tpu.memref_slice %arg3[%dma_wait3A_171, %dma_wait3A_172] : memref<10240x16xf32, #tpu.memory_space<hbm>> -> memref<128x16xf32, #tpu.memory_space<hbm>>
      %dma_wait3A_174 = arith.constant 0 : i32
      %dma_wait3A_175 = arith.constant 0 : i32
      %dma_wait3A_176 = tpu.memref_slice %arg3[%dma_wait3A_174, %dma_wait3A_175] : memref<10240x16xf32, #tpu.memory_space<hbm>> -> memref<128x16xf32, #tpu.memory_space<hbm>>
      tpu.wait_dma2 semaphore(%arg24 : memref<!tpu.dma_semaphore, #tpu.memory_space<semaphore_mem>>) src(%dma_wait3A_176 : memref<128x16xf32, #tpu.memory_space<hbm>>) dst(%arg14 : memref<128x16xf32, #tpu.memory_space<vmem>>)
      %gt3A_177 = arith.constant 0 : i32
      %gt3A_178 = arith.cmpi sgt, %scan3A_117, %gt3A_177 : i32
      %convert_element_type3A_179 = arith.extui %gt3A_178 : i1 to i32
      %cond3A_180 = arith.constant 0 : i32
      %cond3A_181 = arith.cmpi ne, %convert_element_type3A_179, %cond3A_180 : i32
      scf.if %cond3A_181 {
        %dma_wait3A_305 = arith.constant 0 : i32
        %dma_wait3A_306 = arith.constant 0 : i32
        %dma_wait3A_307 = tpu.memref_slice %arg22[%dma_wait3A_305, %dma_wait3A_306] : memref<10240x16xf32, #tpu.memory_space<vmem_shared>> -> memref<128x16xf32, #tpu.memory_space<vmem_shared>>
        %dma_wait3A_308 = arith.constant 0 : i32
        %dma_wait3A_309 = arith.constant 0 : i32
        %dma_wait3A_310 = tpu.memref_slice %arg22[%dma_wait3A_308, %dma_wait3A_309] : memref<10240x16xf32, #tpu.memory_space<vmem_shared>> -> memref<128x16xf32, #tpu.memory_space<vmem_shared>>
        tpu.wait_dma2 semaphore(%arg28 : memref<!tpu.dma_semaphore, #tpu.memory_space<semaphore_mem>>) src(%arg18 : memref<128x16xf32, #tpu.memory_space<vmem>>) dst(%dma_wait3A_310 : memref<128x16xf32, #tpu.memory_space<vmem_shared>>)
      } else {
      }
      %get3A_182 = arith.constant 0 : i32
      %get3A_183 = arith.index_cast %get3A_182 : i32 to index
      %get3A_184 = arith.constant 0 : index
      %get3A_185 = tpu.vector_load %arg10[%get3A_183, %get3A_184] {strides = array<i32>} : memref<128x16xf32, #tpu.memory_space<vmem>>, vector<1x16xf32>,
      %get3A_186 = vector.shape_cast %get3A_185 : vector<1x16xf32> to vector<16xf32>
      %get3A_187 = arith.constant 0 : i32
      %get3A_188 = arith.index_cast %get3A_187 : i32 to index
      %get3A_189 = arith.constant 0 : index
      %get3A_190 = tpu.vector_load %arg14[%get3A_188, %get3A_189] {strides = array<i32>} : memref<128x16xf32, #tpu.memory_space<vmem>>, vector<1x16xf32>,
      %get3A_191 = vector.shape_cast %get3A_190 : vector<1x16xf32> to vector<16xf32>
      %scan3A_192 = arith.constant 0 : i32
      %scan3A_193 = arith.constant 128 : i32
      %scan3A_194 = arith.addi %scan3A_192, %scan3A_193 : i32
      %scan3A_195 = arith.constant 8 : i32
      %scan3A_196:2 = scf.for %scan3A_305 = %scan3A_192 to %scan3A_194 step %scan3A_195 iter_args(%scan3A_306 = %get3A_186, %scan3A_307 = %get3A_191) -> (vector<16xf32>, vector<16xf32>)  : i32 {
        %add3A_308 = arith.constant 1 : i32
        %add3A_309 = arith.addi %scan3A_305, %add3A_308 : i32
        %and3A = arith.constant 127 : i32
        %and3A_310 = arith.andi %add3A_309, %and3A : i32
        %get3A_311 = arith.index_cast %and3A_310 : i32 to index
        %get3A_312 = arith.constant 0 : index
        %get3A_313 = tpu.vector_load %arg10[%get3A_311, %get3A_312] {strides = array<i32>} : memref<128x16xf32, #tpu.memory_space<vmem>>, vector<1x16xf32>,
        %get3A_314 = vector.shape_cast %get3A_313 : vector<1x16xf32> to vector<16xf32>
        %get3A_315 = arith.index_cast %and3A_310 : i32 to index
        %get3A_316 = arith.constant 0 : index
        %get3A_317 = tpu.vector_load %arg14[%get3A_315, %get3A_316] {strides = array<i32>} : memref<128x16xf32, #tpu.memory_space<vmem>>, vector<1x16xf32>,
        %get3A_318 = vector.shape_cast %get3A_317 : vector<1x16xf32> to vector<16xf32>
        %add3A_319 = arith.addf %scan3A_306, %scan3A_307 : vector<16xf32>
        %mul3A_320 = arith.constant 0.00999999977 : f32
        %mul3A_321 = vector.broadcast %mul3A_320 : f32 to vector<16xf32>
        %mul3A_322 = arith.mulf %mul3A_321, %add3A_319 : vector<16xf32>
        %max3A = arith.maximumf %add3A_319, %mul3A_322 : vector<16xf32>
        %swap3A = arith.index_cast %scan3A_305 : i32 to index
        %swap3A_323 = arith.constant 0 : index
        %swap3A_324 = tpu.vector_load %arg18[%swap3A, %swap3A_323] {strides = array<i32>} : memref<128x16xf32, #tpu.memory_space<vmem>>, vector<1x16xf32>,
        %swap3A_325 = vector.shape_cast %swap3A_324 : vector<1x16xf32> to vector<16xf32>
        %swap3A_326 = vector.shape_cast %max3A : vector<16xf32> to vector<1x16xf32>
        tpu.vector_store %arg18[%swap3A, %swap3A_323], %swap3A_326 {strides = array<i32>} : memref<128x16xf32, #tpu.memory_space<vmem>>, vector<1x16xf32>,
        %scan3A_327 = arith.constant 1 : i32
        %scan3A_328 = arith.addi %scan3A_305, %scan3A_327 : i32
        %add3A_329 = arith.constant 1 : i32
        %add3A_330 = arith.addi %scan3A_328, %add3A_329 : i32
        %and3A_331 = arith.constant 127 : i32
        %and3A_332 = arith.andi %add3A_330, %and3A_331 : i32
        %get3A_333 = arith.index_cast %and3A_332 : i32 to index
        %get3A_334 = arith.constant 0 : index
        %get3A_335 = tpu.vector_load %arg10[%get3A_333, %get3A_334] {strides = array<i32>} : memref<128x16xf32, #tpu.memory_space<vmem>>, vector<1x16xf32>,
        %get3A_336 = vector.shape_cast %get3A_335 : vector<1x16xf32> to vector<16xf32>
        %get3A_337 = arith.index_cast %and3A_332 : i32 to index
        %get3A_338 = arith.constant 0 : index
        %get3A_339 = tpu.vector_load %arg14[%get3A_337, %get3A_338] {strides = array<i32>} : memref<128x16xf32, #tpu.memory_space<vmem>>, vector<1x16xf32>,
        %get3A_340 = vector.shape_cast %get3A_339 : vector<1x16xf32> to vector<16xf32>
        %add3A_341 = arith.addf %get3A_314, %get3A_318 : vector<16xf32>
        %mul3A_342 = arith.constant 0.00999999977 : f32
        %mul3A_343 = vector.broadcast %mul3A_342 : f32 to vector<16xf32>
        %mul3A_344 = arith.mulf %mul3A_343, %add3A_341 : vector<16xf32>
        %max3A_345 = arith.maximumf %add3A_341, %mul3A_344 : vector<16xf32>
        %swap3A_346 = arith.index_cast %scan3A_328 : i32 to index
        %swap3A_347 = arith.constant 0 : index
        %swap3A_348 = tpu.vector_load %arg18[%swap3A_346, %swap3A_347] {strides = array<i32>} : memref<128x16xf32, #tpu.memory_space<vmem>>, vector<1x16xf32>,
        %swap3A_349 = vector.shape_cast %swap3A_348 : vector<1x16xf32> to vector<16xf32>
        %swap3A_350 = vector.shape_cast %max3A_345 : vector<16xf32> to vector<1x16xf32>
        tpu.vector_store %arg18[%swap3A_346, %swap3A_347], %swap3A_350 {strides = array<i32>} : memref<128x16xf32, #tpu.memory_space<vmem>>, vector<1x16xf32>,
        %scan3A_351 = arith.constant 2 : i32
        %scan3A_352 = arith.addi %scan3A_305, %scan3A_351 : i32
        %add3A_353 = arith.constant 1 : i32
        %add3A_354 = arith.addi %scan3A_352, %add3A_353 : i32
        %and3A_355 = arith.constant 127 : i32
        %and3A_356 = arith.andi %add3A_354, %and3A_355 : i32
        %get3A_357 = arith.index_cast %and3A_356 : i32 to index
        %get3A_358 = arith.constant 0 : index
        %get3A_359 = tpu.vector_load %arg10[%get3A_357, %get3A_358] {strides = array<i32>} : memref<128x16xf32, #tpu.memory_space<vmem>>, vector<1x16xf32>,
        %get3A_360 = vector.shape_cast %get3A_359 : vector<1x16xf32> to vector<16xf32>
        %get3A_361 = arith.index_cast %and3A_356 : i32 to index
        %get3A_362 = arith.constant 0 : index
        %get3A_363 = tpu.vector_load %arg14[%get3A_361, %get3A_362] {strides = array<i32>} : memref<128x16xf32, #tpu.memory_space<vmem>>, vector<1x16xf32>,
        %get3A_364 = vector.shape_cast %get3A_363 : vector<1x16xf32> to vector<16xf32>
        %add3A_365 = arith.addf %get3A_336, %get3A_340 : vector<16xf32>
        %mul3A_366 = arith.constant 0.00999999977 : f32
        %mul3A_367 = vector.broadcast %mul3A_366 : f32 to vector<16xf32>
        %mul3A_368 = arith.mulf %mul3A_367, %add3A_365 : vector<16xf32>
        %max3A_369 = arith.maximumf %add3A_365, %mul3A_368 : vector<16xf32>
        %swap3A_370 = arith.index_cast %scan3A_352 : i32 to index
        %swap3A_371 = arith.constant 0 : index
        %swap3A_372 = tpu.vector_load %arg18[%swap3A_370, %swap3A_371] {strides = array<i32>} : memref<128x16xf32, #tpu.memory_space<vmem>>, vector<1x16xf32>,
        %swap3A_373 = vector.shape_cast %swap3A_372 : vector<1x16xf32> to vector<16xf32>
        %swap3A_374 = vector.shape_cast %max3A_369 : vector<16xf32> to vector<1x16xf32>
        tpu.vector_store %arg18[%swap3A_370, %swap3A_371], %swap3A_374 {strides = array<i32>} : memref<128x16xf32, #tpu.memory_space<vmem>>, vector<1x16xf32>,
        %scan3A_375 = arith.constant 3 : i32
        %scan3A_376 = arith.addi %scan3A_305, %scan3A_375 : i32
        %add3A_377 = arith.constant 1 : i32
        %add3A_378 = arith.addi %scan3A_376, %add3A_377 : i32
        %and3A_379 = arith.constant 127 : i32
        %and3A_380 = arith.andi %add3A_378, %and3A_379 : i32
        %get3A_381 = arith.index_cast %and3A_380 : i32 to index
        %get3A_382 = arith.constant 0 : index
        %get3A_383 = tpu.vector_load %arg10[%get3A_381, %get3A_382] {strides = array<i32>} : memref<128x16xf32, #tpu.memory_space<vmem>>, vector<1x16xf32>,
        %get3A_384 = vector.shape_cast %get3A_383 : vector<1x16xf32> to vector<16xf32>
        %get3A_385 = arith.index_cast %and3A_380 : i32 to index
        %get3A_386 = arith.constant 0 : index
        %get3A_387 = tpu.vector_load %arg14[%get3A_385, %get3A_386] {strides = array<i32>} : memref<128x16xf32, #tpu.memory_space<vmem>>, vector<1x16xf32>,
        %get3A_388 = vector.shape_cast %get3A_387 : vector<1x16xf32> to vector<16xf32>
        %add3A_389 = arith.addf %get3A_360, %get3A_364 : vector<16xf32>
        %mul3A_390 = arith.constant 0.00999999977 : f32
        %mul3A_391 = vector.broadcast %mul3A_390 : f32 to vector<16xf32>
        %mul3A_392 = arith.mulf %mul3A_391, %add3A_389 : vector<16xf32>
        %max3A_393 = arith.maximumf %add3A_389, %mul3A_392 : vector<16xf32>
        %swap3A_394 = arith.index_cast %scan3A_376 : i32 to index
        %swap3A_395 = arith.constant 0 : index
        %swap3A_396 = tpu.vector_load %arg18[%swap3A_394, %swap3A_395] {strides = array<i32>} : memref<128x16xf32, #tpu.memory_space<vmem>>, vector<1x16xf32>,
        %swap3A_397 = vector.shape_cast %swap3A_396 : vector<1x16xf32> to vector<16xf32>
        %swap3A_398 = vector.shape_cast %max3A_393 : vector<16xf32> to vector<1x16xf32>
        tpu.vector_store %arg18[%swap3A_394, %swap3A_395], %swap3A_398 {strides = array<i32>} : memref<128x16xf32, #tpu.memory_space<vmem>>, vector<1x16xf32>,
        %scan3A_399 = arith.constant 4 : i32
        %scan3A_400 = arith.addi %scan3A_305, %scan3A_399 : i32
        %add3A_401 = arith.constant 1 : i32
        %add3A_402 = arith.addi %scan3A_400, %add3A_401 : i32
        %and3A_403 = arith.constant 127 : i32
        %and3A_404 = arith.andi %add3A_402, %and3A_403 : i32
        %get3A_405 = arith.index_cast %and3A_404 : i32 to index
        %get3A_406 = arith.constant 0 : index
        %get3A_407 = tpu.vector_load %arg10[%get3A_405, %get3A_406] {strides = array<i32>} : memref<128x16xf32, #tpu.memory_space<vmem>>, vector<1x16xf32>,
        %get3A_408 = vector.shape_cast %get3A_407 : vector<1x16xf32> to vector<16xf32>
        %get3A_409 = arith.index_cast %and3A_404 : i32 to index
        %get3A_410 = arith.constant 0 : index
        %get3A_411 = tpu.vector_load %arg14[%get3A_409, %get3A_410] {strides = array<i32>} : memref<128x16xf32, #tpu.memory_space<vmem>>, vector<1x16xf32>,
        %get3A_412 = vector.shape_cast %get3A_411 : vector<1x16xf32> to vector<16xf32>
        %add3A_413 = arith.addf %get3A_384, %get3A_388 : vector<16xf32>
        %mul3A_414 = arith.constant 0.00999999977 : f32
        %mul3A_415 = vector.broadcast %mul3A_414 : f32 to vector<16xf32>
        %mul3A_416 = arith.mulf %mul3A_415, %add3A_413 : vector<16xf32>
        %max3A_417 = arith.maximumf %add3A_413, %mul3A_416 : vector<16xf32>
        %swap3A_418 = arith.index_cast %scan3A_400 : i32 to index
        %swap3A_419 = arith.constant 0 : index
        %swap3A_420 = tpu.vector_load %arg18[%swap3A_418, %swap3A_419] {strides = array<i32>} : memref<128x16xf32, #tpu.memory_space<vmem>>, vector<1x16xf32>,
        %swap3A_421 = vector.shape_cast %swap3A_420 : vector<1x16xf32> to vector<16xf32>
        %swap3A_422 = vector.shape_cast %max3A_417 : vector<16xf32> to vector<1x16xf32>
        tpu.vector_store %arg18[%swap3A_418, %swap3A_419], %swap3A_422 {strides = array<i32>} : memref<128x16xf32, #tpu.memory_space<vmem>>, vector<1x16xf32>,
        %scan3A_423 = arith.constant 5 : i32
        %scan3A_424 = arith.addi %scan3A_305, %scan3A_423 : i32
        %add3A_425 = arith.constant 1 : i32
        %add3A_426 = arith.addi %scan3A_424, %add3A_425 : i32
        %and3A_427 = arith.constant 127 : i32
        %and3A_428 = arith.andi %add3A_426, %and3A_427 : i32
        %get3A_429 = arith.index_cast %and3A_428 : i32 to index
        %get3A_430 = arith.constant 0 : index
        %get3A_431 = tpu.vector_load %arg10[%get3A_429, %get3A_430] {strides = array<i32>} : memref<128x16xf32, #tpu.memory_space<vmem>>, vector<1x16xf32>,
        %get3A_432 = vector.shape_cast %get3A_431 : vector<1x16xf32> to vector<16xf32>
        %get3A_433 = arith.index_cast %and3A_428 : i32 to index
        %get3A_434 = arith.constant 0 : index
        %get3A_435 = tpu.vector_load %arg14[%get3A_433, %get3A_434] {strides = array<i32>} : memref<128x16xf32, #tpu.memory_space<vmem>>, vector<1x16xf32>,
        %get3A_436 = vector.shape_cast %get3A_435 : vector<1x16xf32> to vector<16xf32>
        %add3A_437 = arith.addf %get3A_408, %get3A_412 : vector<16xf32>
        %mul3A_438 = arith.constant 0.00999999977 : f32
        %mul3A_439 = vector.broadcast %mul3A_438 : f32 to vector<16xf32>
        %mul3A_440 = arith.mulf %mul3A_439, %add3A_437 : vector<16xf32>
        %max3A_441 = arith.maximumf %add3A_437, %mul3A_440 : vector<16xf32>
        %swap3A_442 = arith.index_cast %scan3A_424 : i32 to index
        %swap3A_443 = arith.constant 0 : index
        %swap3A_444 = tpu.vector_load %arg18[%swap3A_442, %swap3A_443] {strides = array<i32>} : memref<128x16xf32, #tpu.memory_space<vmem>>, vector<1x16xf32>,
        %swap3A_445 = vector.shape_cast %swap3A_444 : vector<1x16xf32> to vector<16xf32>
        %swap3A_446 = vector.shape_cast %max3A_441 : vector<16xf32> to vector<1x16xf32>
        tpu.vector_store %arg18[%swap3A_442, %swap3A_443], %swap3A_446 {strides = array<i32>} : memref<128x16xf32, #tpu.memory_space<vmem>>, vector<1x16xf32>,
        %scan3A_447 = arith.constant 6 : i32
        %scan3A_448 = arith.addi %scan3A_305, %scan3A_447 : i32
        %add3A_449 = arith.constant 1 : i32
        %add3A_450 = arith.addi %scan3A_448, %add3A_449 : i32
        %and3A_451 = arith.constant 127 : i32
        %and3A_452 = arith.andi %add3A_450, %and3A_451 : i32
        %get3A_453 = arith.index_cast %and3A_452 : i32 to index
        %get3A_454 = arith.constant 0 : index
        %get3A_455 = tpu.vector_load %arg10[%get3A_453, %get3A_454] {strides = array<i32>} : memref<128x16xf32, #tpu.memory_space<vmem>>, vector<1x16xf32>,
        %get3A_456 = vector.shape_cast %get3A_455 : vector<1x16xf32> to vector<16xf32>
        %get3A_457 = arith.index_cast %and3A_452 : i32 to index
        %get3A_458 = arith.constant 0 : index
        %get3A_459 = tpu.vector_load %arg14[%get3A_457, %get3A_458] {strides = array<i32>} : memref<128x16xf32, #tpu.memory_space<vmem>>, vector<1x16xf32>,
        %get3A_460 = vector.shape_cast %get3A_459 : vector<1x16xf32> to vector<16xf32>
        %add3A_461 = arith.addf %get3A_432, %get3A_436 : vector<16xf32>
        %mul3A_462 = arith.constant 0.00999999977 : f32
        %mul3A_463 = vector.broadcast %mul3A_462 : f32 to vector<16xf32>
        %mul3A_464 = arith.mulf %mul3A_463, %add3A_461 : vector<16xf32>
        %max3A_465 = arith.maximumf %add3A_461, %mul3A_464 : vector<16xf32>
        %swap3A_466 = arith.index_cast %scan3A_448 : i32 to index
        %swap3A_467 = arith.constant 0 : index
        %swap3A_468 = tpu.vector_load %arg18[%swap3A_466, %swap3A_467] {strides = array<i32>} : memref<128x16xf32, #tpu.memory_space<vmem>>, vector<1x16xf32>,
        %swap3A_469 = vector.shape_cast %swap3A_468 : vector<1x16xf32> to vector<16xf32>
        %swap3A_470 = vector.shape_cast %max3A_465 : vector<16xf32> to vector<1x16xf32>
        tpu.vector_store %arg18[%swap3A_466, %swap3A_467], %swap3A_470 {strides = array<i32>} : memref<128x16xf32, #tpu.memory_space<vmem>>, vector<1x16xf32>,
        %scan3A_471 = arith.constant 7 : i32
        %scan3A_472 = arith.addi %scan3A_305, %scan3A_471 : i32
        %add3A_473 = arith.constant 1 : i32
        %add3A_474 = arith.addi %scan3A_472, %add3A_473 : i32
        %and3A_475 = arith.constant 127 : i32
        %and3A_476 = arith.andi %add3A_474, %and3A_475 : i32
        %get3A_477 = arith.index_cast %and3A_476 : i32 to index
        %get3A_478 = arith.constant 0 : index
        %get3A_479 = tpu.vector_load %arg10[%get3A_477, %get3A_478] {strides = array<i32>} : memref<128x16xf32, #tpu.memory_space<vmem>>, vector<1x16xf32>,
        %get3A_480 = vector.shape_cast %get3A_479 : vector<1x16xf32> to vector<16xf32>
        %get3A_481 = arith.index_cast %and3A_476 : i32 to index
        %get3A_482 = arith.constant 0 : index
        %get3A_483 = tpu.vector_load %arg14[%get3A_481, %get3A_482] {strides = array<i32>} : memref<128x16xf32, #tpu.memory_space<vmem>>, vector<1x16xf32>,
        %get3A_484 = vector.shape_cast %get3A_483 : vector<1x16xf32> to vector<16xf32>
        %add3A_485 = arith.addf %get3A_456, %get3A_460 : vector<16xf32>
        %mul3A_486 = arith.constant 0.00999999977 : f32
        %mul3A_487 = vector.broadcast %mul3A_486 : f32 to vector<16xf32>
        %mul3A_488 = arith.mulf %mul3A_487, %add3A_485 : vector<16xf32>
        %max3A_489 = arith.maximumf %add3A_485, %mul3A_488 : vector<16xf32>
        %swap3A_490 = arith.index_cast %scan3A_472 : i32 to index
        %swap3A_491 = arith.constant 0 : index
        %swap3A_492 = tpu.vector_load %arg18[%swap3A_490, %swap3A_491] {strides = array<i32>} : memref<128x16xf32, #tpu.memory_space<vmem>>, vector<1x16xf32>,
        %swap3A_493 = vector.shape_cast %swap3A_492 : vector<1x16xf32> to vector<16xf32>
        %swap3A_494 = vector.shape_cast %max3A_489 : vector<16xf32> to vector<1x16xf32>
        tpu.vector_store %arg18[%swap3A_490, %swap3A_491], %swap3A_494 {strides = array<i32>} : memref<128x16xf32, #tpu.memory_space<vmem>>, vector<1x16xf32>,
        scf.yield %get3A_480, %get3A_484 : vector<16xf32>, vector<16xf32>
      }
      %scan3A_197 = arith.constant 128 : i32
      %lt3A_198 = arith.constant 19 : i32
      %lt3A_199 = arith.cmpi slt, %scan3A_117, %lt3A_198 : i32
      %convert_element_type3A_200 = arith.extui %lt3A_199 : i1 to i32
      %cond3A_201 = arith.constant 0 : i32
      %cond3A_202 = arith.cmpi ne, %convert_element_type3A_200, %cond3A_201 : i32
      scf.if %cond3A_202 {
        %add3A_305 = arith.constant 4 : i32
        %add3A_306 = arith.addi %add3A_164, %add3A_305 : i32
        %dma_start3A_307 = arith.constant 0 : i32
        %dma_start3A_308 = tpu.memref_slice %arg7[%add3A_306, %dma_start3A_307] : memref<80x128xi32, #tpu.memory_space<vmem>> -> memref<1x128xi32, #tpu.memory_space<vmem>>
        %dma_start3A_309 = tpu.memref_squeeze %dma_start3A_308 : memref<1x128xi32, #tpu.memory_space<vmem>> -> memref<128xi32, #tpu.memory_space<vmem>>
        %dma_start3A_310 = arith.constant 0 : i32
        %dma_start3A_311 = arith.constant 0 : i32
        %dma_start3A_312 = tpu.memref_slice %arg2[%dma_start3A_310, %dma_start3A_311] : memref<10240x16xf32, #tpu.memory_space<hbm>> -> memref<10240x16xf32, #tpu.memory_space<hbm>>
        tpu.enqueue_indirect_dma source(%dma_start3A_312 : memref<10240x16xf32, #tpu.memory_space<hbm>>) target(%arg10 : memref<128x16xf32, #tpu.memory_space<vmem>>) offsets(%dma_start3A_309 : memref<128xi32, #tpu.memory_space<vmem>>) semaphore(%arg24 : memref<!tpu.dma_semaphore, #tpu.memory_space<semaphore_mem>>)
        %add3A_313 = arith.constant 4 : i32
        %add3A_314 = arith.addi %add3A_164, %add3A_313 : i32
        %dma_start3A_315 = arith.constant 0 : i32
        %dma_start3A_316 = tpu.memref_slice %arg8[%add3A_314, %dma_start3A_315] : memref<80x128xi32, #tpu.memory_space<vmem>> -> memref<1x128xi32, #tpu.memory_space<vmem>>
        %dma_start3A_317 = tpu.memref_squeeze %dma_start3A_316 : memref<1x128xi32, #tpu.memory_space<vmem>> -> memref<128xi32, #tpu.memory_space<vmem>>
        %dma_start3A_318 = arith.constant 0 : i32
        %dma_start3A_319 = arith.constant 0 : i32
        %dma_start3A_320 = tpu.memref_slice %arg3[%dma_start3A_318, %dma_start3A_319] : memref<10240x16xf32, #tpu.memory_space<hbm>> -> memref<10240x16xf32, #tpu.memory_space<hbm>>
        tpu.enqueue_indirect_dma source(%dma_start3A_320 : memref<10240x16xf32, #tpu.memory_space<hbm>>) target(%arg14 : memref<128x16xf32, #tpu.memory_space<vmem>>) offsets(%dma_start3A_317 : memref<128xi32, #tpu.memory_space<vmem>>) semaphore(%arg24 : memref<!tpu.dma_semaphore, #tpu.memory_space<semaphore_mem>>)
      } else {
      }
      %dma_start3A_203 = arith.constant 0 : i32
      %dma_start3A_204 = tpu.memref_slice %arg7[%add3A_164, %dma_start3A_203] : memref<80x128xi32, #tpu.memory_space<vmem>> -> memref<1x128xi32, #tpu.memory_space<vmem>>
      %dma_start3A_205 = tpu.memref_squeeze %dma_start3A_204 : memref<1x128xi32, #tpu.memory_space<vmem>> -> memref<128xi32, #tpu.memory_space<vmem>>
      %dma_start3A_206 = arith.constant 0 : i32
      %dma_start3A_207 = arith.constant 0 : i32
      %dma_start3A_208 = tpu.memref_slice %arg22[%dma_start3A_206, %dma_start3A_207] : memref<10240x16xf32, #tpu.memory_space<vmem_shared>> -> memref<10240x16xf32, #tpu.memory_space<vmem_shared>>
      tpu.enqueue_indirect_dma source(%arg18 : memref<128x16xf32, #tpu.memory_space<vmem>>) target(%dma_start3A_208 : memref<10240x16xf32, #tpu.memory_space<vmem_shared>>) offsets(%dma_start3A_205 : memref<128xi32, #tpu.memory_space<vmem>>) semaphore(%arg28 : memref<!tpu.dma_semaphore, #tpu.memory_space<semaphore_mem>>) {add = true}
      %mul3A_209 = arith.constant 4 : i32
      %mul3A_210 = arith.muli %scan3A_117, %mul3A_209 : i32
      %add3A_211 = arith.constant 2 : i32
      %add3A_212 = arith.addi %mul3A_210, %add3A_211 : i32
      %dma_wait3A_213 = arith.constant 0 : i32
      %dma_wait3A_214 = arith.constant 0 : i32
      %dma_wait3A_215 = tpu.memref_slice %arg2[%dma_wait3A_213, %dma_wait3A_214] : memref<10240x16xf32, #tpu.memory_space<hbm>> -> memref<128x16xf32, #tpu.memory_space<hbm>>
      %dma_wait3A_216 = arith.constant 0 : i32
      %dma_wait3A_217 = arith.constant 0 : i32
      %dma_wait3A_218 = tpu.memref_slice %arg2[%dma_wait3A_216, %dma_wait3A_217] : memref<10240x16xf32, #tpu.memory_space<hbm>> -> memref<128x16xf32, #tpu.memory_space<hbm>>
      tpu.wait_dma2 semaphore(%arg25 : memref<!tpu.dma_semaphore, #tpu.memory_space<semaphore_mem>>) src(%dma_wait3A_218 : memref<128x16xf32, #tpu.memory_space<hbm>>) dst(%arg11 : memref<128x16xf32, #tpu.memory_space<vmem>>)
      %dma_wait3A_219 = arith.constant 0 : i32
      %dma_wait3A_220 = arith.constant 0 : i32
      %dma_wait3A_221 = tpu.memref_slice %arg3[%dma_wait3A_219, %dma_wait3A_220] : memref<10240x16xf32, #tpu.memory_space<hbm>> -> memref<128x16xf32, #tpu.memory_space<hbm>>
      %dma_wait3A_222 = arith.constant 0 : i32
      %dma_wait3A_223 = arith.constant 0 : i32
      %dma_wait3A_224 = tpu.memref_slice %arg3[%dma_wait3A_222, %dma_wait3A_223] : memref<10240x16xf32, #tpu.memory_space<hbm>> -> memref<128x16xf32, #tpu.memory_space<hbm>>
      tpu.wait_dma2 semaphore(%arg25 : memref<!tpu.dma_semaphore, #tpu.memory_space<semaphore_mem>>) src(%dma_wait3A_224 : memref<128x16xf32, #tpu.memory_space<hbm>>) dst(%arg15 : memref<128x16xf32, #tpu.memory_space<vmem>>)
      %gt3A_225 = arith.constant 0 : i32
      %gt3A_226 = arith.cmpi sgt, %scan3A_117, %gt3A_225 : i32
      %convert_element_type3A_227 = arith.extui %gt3A_226 : i1 to i32
      %cond3A_228 = arith.constant 0 : i32
      %cond3A_229 = arith.cmpi ne, %convert_element_type3A_227, %cond3A_228 : i32
      scf.if %cond3A_229 {
        %dma_wait3A_305 = arith.constant 0 : i32
        %dma_wait3A_306 = arith.constant 0 : i32
        %dma_wait3A_307 = tpu.memref_slice %arg22[%dma_wait3A_305, %dma_wait3A_306] : memref<10240x16xf32, #tpu.memory_space<vmem_shared>> -> memref<128x16xf32, #tpu.memory_space<vmem_shared>>
        %dma_wait3A_308 = arith.constant 0 : i32
        %dma_wait3A_309 = arith.constant 0 : i32
        %dma_wait3A_310 = tpu.memref_slice %arg22[%dma_wait3A_308, %dma_wait3A_309] : memref<10240x16xf32, #tpu.memory_space<vmem_shared>> -> memref<128x16xf32, #tpu.memory_space<vmem_shared>>
        tpu.wait_dma2 semaphore(%arg29 : memref<!tpu.dma_semaphore, #tpu.memory_space<semaphore_mem>>) src(%arg19 : memref<128x16xf32, #tpu.memory_space<vmem>>) dst(%dma_wait3A_310 : memref<128x16xf32, #tpu.memory_space<vmem_shared>>)
      } else {
      }
      %get3A_230 = arith.constant 0 : i32
      %get3A_231 = arith.index_cast %get3A_230 : i32 to index
      %get3A_232 = arith.constant 0 : index
      %get3A_233 = tpu.vector_load %arg11[%get3A_231, %get3A_232] {strides = array<i32>} : memref<128x16xf32, #tpu.memory_space<vmem>>, vector<1x16xf32>,
      %get3A_234 = vector.shape_cast %get3A_233 : vector<1x16xf32> to vector<16xf32>
      %get3A_235 = arith.constant 0 : i32
      %get3A_236 = arith.index_cast %get3A_235 : i32 to index
      %get3A_237 = arith.constant 0 : index
      %get3A_238 = tpu.vector_load %arg15[%get3A_236, %get3A_237] {strides = array<i32>} : memref<128x16xf32, #tpu.memory_space<vmem>>, vector<1x16xf32>,
      %get3A_239 = vector.shape_cast %get3A_238 : vector<1x16xf32> to vector<16xf32>
      %scan3A_240 = arith.constant 0 : i32
      %scan3A_241 = arith.constant 128 : i32
      %scan3A_242 = arith.addi %scan3A_240, %scan3A_241 : i32
      %scan3A_243 = arith.constant 8 : i32
      %scan3A_244:2 = scf.for %scan3A_305 = %scan3A_240 to %scan3A_242 step %scan3A_243 iter_args(%scan3A_306 = %get3A_234, %scan3A_307 = %get3A_239) -> (vector<16xf32>, vector<16xf32>)  : i32 {
        %add3A_308 = arith.constant 1 : i32
        %add3A_309 = arith.addi %scan3A_305, %add3A_308 : i32
        %and3A = arith.constant 127 : i32
        %and3A_310 = arith.andi %add3A_309, %and3A : i32
        %get3A_311 = arith.index_cast %and3A_310 : i32 to index
        %get3A_312 = arith.constant 0 : index
        %get3A_313 = tpu.vector_load %arg11[%get3A_311, %get3A_312] {strides = array<i32>} : memref<128x16xf32, #tpu.memory_space<vmem>>, vector<1x16xf32>,
        %get3A_314 = vector.shape_cast %get3A_313 : vector<1x16xf32> to vector<16xf32>
        %get3A_315 = arith.index_cast %and3A_310 : i32 to index
        %get3A_316 = arith.constant 0 : index
        %get3A_317 = tpu.vector_load %arg15[%get3A_315, %get3A_316] {strides = array<i32>} : memref<128x16xf32, #tpu.memory_space<vmem>>, vector<1x16xf32>,
        %get3A_318 = vector.shape_cast %get3A_317 : vector<1x16xf32> to vector<16xf32>
        %add3A_319 = arith.addf %scan3A_306, %scan3A_307 : vector<16xf32>
        %mul3A_320 = arith.constant 0.00999999977 : f32
        %mul3A_321 = vector.broadcast %mul3A_320 : f32 to vector<16xf32>
        %mul3A_322 = arith.mulf %mul3A_321, %add3A_319 : vector<16xf32>
        %max3A = arith.maximumf %add3A_319, %mul3A_322 : vector<16xf32>
        %swap3A = arith.index_cast %scan3A_305 : i32 to index
        %swap3A_323 = arith.constant 0 : index
        %swap3A_324 = tpu.vector_load %arg19[%swap3A, %swap3A_323] {strides = array<i32>} : memref<128x16xf32, #tpu.memory_space<vmem>>, vector<1x16xf32>,
        %swap3A_325 = vector.shape_cast %swap3A_324 : vector<1x16xf32> to vector<16xf32>
        %swap3A_326 = vector.shape_cast %max3A : vector<16xf32> to vector<1x16xf32>
        tpu.vector_store %arg19[%swap3A, %swap3A_323], %swap3A_326 {strides = array<i32>} : memref<128x16xf32, #tpu.memory_space<vmem>>, vector<1x16xf32>,
        %scan3A_327 = arith.constant 1 : i32
        %scan3A_328 = arith.addi %scan3A_305, %scan3A_327 : i32
        %add3A_329 = arith.constant 1 : i32
        %add3A_330 = arith.addi %scan3A_328, %add3A_329 : i32
        %and3A_331 = arith.constant 127 : i32
        %and3A_332 = arith.andi %add3A_330, %and3A_331 : i32
        %get3A_333 = arith.index_cast %and3A_332 : i32 to index
        %get3A_334 = arith.constant 0 : index
        %get3A_335 = tpu.vector_load %arg11[%get3A_333, %get3A_334] {strides = array<i32>} : memref<128x16xf32, #tpu.memory_space<vmem>>, vector<1x16xf32>,
        %get3A_336 = vector.shape_cast %get3A_335 : vector<1x16xf32> to vector<16xf32>
        %get3A_337 = arith.index_cast %and3A_332 : i32 to index
        %get3A_338 = arith.constant 0 : index
        %get3A_339 = tpu.vector_load %arg15[%get3A_337, %get3A_338] {strides = array<i32>} : memref<128x16xf32, #tpu.memory_space<vmem>>, vector<1x16xf32>,
        %get3A_340 = vector.shape_cast %get3A_339 : vector<1x16xf32> to vector<16xf32>
        %add3A_341 = arith.addf %get3A_314, %get3A_318 : vector<16xf32>
        %mul3A_342 = arith.constant 0.00999999977 : f32
        %mul3A_343 = vector.broadcast %mul3A_342 : f32 to vector<16xf32>
        %mul3A_344 = arith.mulf %mul3A_343, %add3A_341 : vector<16xf32>
        %max3A_345 = arith.maximumf %add3A_341, %mul3A_344 : vector<16xf32>
        %swap3A_346 = arith.index_cast %scan3A_328 : i32 to index
        %swap3A_347 = arith.constant 0 : index
        %swap3A_348 = tpu.vector_load %arg19[%swap3A_346, %swap3A_347] {strides = array<i32>} : memref<128x16xf32, #tpu.memory_space<vmem>>, vector<1x16xf32>,
        %swap3A_349 = vector.shape_cast %swap3A_348 : vector<1x16xf32> to vector<16xf32>
        %swap3A_350 = vector.shape_cast %max3A_345 : vector<16xf32> to vector<1x16xf32>
        tpu.vector_store %arg19[%swap3A_346, %swap3A_347], %swap3A_350 {strides = array<i32>} : memref<128x16xf32, #tpu.memory_space<vmem>>, vector<1x16xf32>,
        %scan3A_351 = arith.constant 2 : i32
        %scan3A_352 = arith.addi %scan3A_305, %scan3A_351 : i32
        %add3A_353 = arith.constant 1 : i32
        %add3A_354 = arith.addi %scan3A_352, %add3A_353 : i32
        %and3A_355 = arith.constant 127 : i32
        %and3A_356 = arith.andi %add3A_354, %and3A_355 : i32
        %get3A_357 = arith.index_cast %and3A_356 : i32 to index
        %get3A_358 = arith.constant 0 : index
        %get3A_359 = tpu.vector_load %arg11[%get3A_357, %get3A_358] {strides = array<i32>} : memref<128x16xf32, #tpu.memory_space<vmem>>, vector<1x16xf32>,
        %get3A_360 = vector.shape_cast %get3A_359 : vector<1x16xf32> to vector<16xf32>
        %get3A_361 = arith.index_cast %and3A_356 : i32 to index
        %get3A_362 = arith.constant 0 : index
        %get3A_363 = tpu.vector_load %arg15[%get3A_361, %get3A_362] {strides = array<i32>} : memref<128x16xf32, #tpu.memory_space<vmem>>, vector<1x16xf32>,
        %get3A_364 = vector.shape_cast %get3A_363 : vector<1x16xf32> to vector<16xf32>
        %add3A_365 = arith.addf %get3A_336, %get3A_340 : vector<16xf32>
        %mul3A_366 = arith.constant 0.00999999977 : f32
        %mul3A_367 = vector.broadcast %mul3A_366 : f32 to vector<16xf32>
        %mul3A_368 = arith.mulf %mul3A_367, %add3A_365 : vector<16xf32>
        %max3A_369 = arith.maximumf %add3A_365, %mul3A_368 : vector<16xf32>
        %swap3A_370 = arith.index_cast %scan3A_352 : i32 to index
        %swap3A_371 = arith.constant 0 : index
        %swap3A_372 = tpu.vector_load %arg19[%swap3A_370, %swap3A_371] {strides = array<i32>} : memref<128x16xf32, #tpu.memory_space<vmem>>, vector<1x16xf32>,
        %swap3A_373 = vector.shape_cast %swap3A_372 : vector<1x16xf32> to vector<16xf32>
        %swap3A_374 = vector.shape_cast %max3A_369 : vector<16xf32> to vector<1x16xf32>
        tpu.vector_store %arg19[%swap3A_370, %swap3A_371], %swap3A_374 {strides = array<i32>} : memref<128x16xf32, #tpu.memory_space<vmem>>, vector<1x16xf32>,
        %scan3A_375 = arith.constant 3 : i32
        %scan3A_376 = arith.addi %scan3A_305, %scan3A_375 : i32
        %add3A_377 = arith.constant 1 : i32
        %add3A_378 = arith.addi %scan3A_376, %add3A_377 : i32
        %and3A_379 = arith.constant 127 : i32
        %and3A_380 = arith.andi %add3A_378, %and3A_379 : i32
        %get3A_381 = arith.index_cast %and3A_380 : i32 to index
        %get3A_382 = arith.constant 0 : index
        %get3A_383 = tpu.vector_load %arg11[%get3A_381, %get3A_382] {strides = array<i32>} : memref<128x16xf32, #tpu.memory_space<vmem>>, vector<1x16xf32>,
        %get3A_384 = vector.shape_cast %get3A_383 : vector<1x16xf32> to vector<16xf32>
        %get3A_385 = arith.index_cast %and3A_380 : i32 to index
        %get3A_386 = arith.constant 0 : index
        %get3A_387 = tpu.vector_load %arg15[%get3A_385, %get3A_386] {strides = array<i32>} : memref<128x16xf32, #tpu.memory_space<vmem>>, vector<1x16xf32>,
        %get3A_388 = vector.shape_cast %get3A_387 : vector<1x16xf32> to vector<16xf32>
        %add3A_389 = arith.addf %get3A_360, %get3A_364 : vector<16xf32>
        %mul3A_390 = arith.constant 0.00999999977 : f32
        %mul3A_391 = vector.broadcast %mul3A_390 : f32 to vector<16xf32>
        %mul3A_392 = arith.mulf %mul3A_391, %add3A_389 : vector<16xf32>
        %max3A_393 = arith.maximumf %add3A_389, %mul3A_392 : vector<16xf32>
        %swap3A_394 = arith.index_cast %scan3A_376 : i32 to index
        %swap3A_395 = arith.constant 0 : index
        %swap3A_396 = tpu.vector_load %arg19[%swap3A_394, %swap3A_395] {strides = array<i32>} : memref<128x16xf32, #tpu.memory_space<vmem>>, vector<1x16xf32>,
        %swap3A_397 = vector.shape_cast %swap3A_396 : vector<1x16xf32> to vector<16xf32>
        %swap3A_398 = vector.shape_cast %max3A_393 : vector<16xf32> to vector<1x16xf32>
        tpu.vector_store %arg19[%swap3A_394, %swap3A_395], %swap3A_398 {strides = array<i32>} : memref<128x16xf32, #tpu.memory_space<vmem>>, vector<1x16xf32>,
        %scan3A_399 = arith.constant 4 : i32
        %scan3A_400 = arith.addi %scan3A_305, %scan3A_399 : i32
        %add3A_401 = arith.constant 1 : i32
        %add3A_402 = arith.addi %scan3A_400, %add3A_401 : i32
        %and3A_403 = arith.constant 127 : i32
        %and3A_404 = arith.andi %add3A_402, %and3A_403 : i32
        %get3A_405 = arith.index_cast %and3A_404 : i32 to index
        %get3A_406 = arith.constant 0 : index
        %get3A_407 = tpu.vector_load %arg11[%get3A_405, %get3A_406] {strides = array<i32>} : memref<128x16xf32, #tpu.memory_space<vmem>>, vector<1x16xf32>,
        %get3A_408 = vector.shape_cast %get3A_407 : vector<1x16xf32> to vector<16xf32>
        %get3A_409 = arith.index_cast %and3A_404 : i32 to index
        %get3A_410 = arith.constant 0 : index
        %get3A_411 = tpu.vector_load %arg15[%get3A_409, %get3A_410] {strides = array<i32>} : memref<128x16xf32, #tpu.memory_space<vmem>>, vector<1x16xf32>,
        %get3A_412 = vector.shape_cast %get3A_411 : vector<1x16xf32> to vector<16xf32>
        %add3A_413 = arith.addf %get3A_384, %get3A_388 : vector<16xf32>
        %mul3A_414 = arith.constant 0.00999999977 : f32
        %mul3A_415 = vector.broadcast %mul3A_414 : f32 to vector<16xf32>
        %mul3A_416 = arith.mulf %mul3A_415, %add3A_413 : vector<16xf32>
        %max3A_417 = arith.maximumf %add3A_413, %mul3A_416 : vector<16xf32>
        %swap3A_418 = arith.index_cast %scan3A_400 : i32 to index
        %swap3A_419 = arith.constant 0 : index
        %swap3A_420 = tpu.vector_load %arg19[%swap3A_418, %swap3A_419] {strides = array<i32>} : memref<128x16xf32, #tpu.memory_space<vmem>>, vector<1x16xf32>,
        %swap3A_421 = vector.shape_cast %swap3A_420 : vector<1x16xf32> to vector<16xf32>
        %swap3A_422 = vector.shape_cast %max3A_417 : vector<16xf32> to vector<1x16xf32>
        tpu.vector_store %arg19[%swap3A_418, %swap3A_419], %swap3A_422 {strides = array<i32>} : memref<128x16xf32, #tpu.memory_space<vmem>>, vector<1x16xf32>,
        %scan3A_423 = arith.constant 5 : i32
        %scan3A_424 = arith.addi %scan3A_305, %scan3A_423 : i32
        %add3A_425 = arith.constant 1 : i32
        %add3A_426 = arith.addi %scan3A_424, %add3A_425 : i32
        %and3A_427 = arith.constant 127 : i32
        %and3A_428 = arith.andi %add3A_426, %and3A_427 : i32
        %get3A_429 = arith.index_cast %and3A_428 : i32 to index
        %get3A_430 = arith.constant 0 : index
        %get3A_431 = tpu.vector_load %arg11[%get3A_429, %get3A_430] {strides = array<i32>} : memref<128x16xf32, #tpu.memory_space<vmem>>, vector<1x16xf32>,
        %get3A_432 = vector.shape_cast %get3A_431 : vector<1x16xf32> to vector<16xf32>
        %get3A_433 = arith.index_cast %and3A_428 : i32 to index
        %get3A_434 = arith.constant 0 : index
        %get3A_435 = tpu.vector_load %arg15[%get3A_433, %get3A_434] {strides = array<i32>} : memref<128x16xf32, #tpu.memory_space<vmem>>, vector<1x16xf32>,
        %get3A_436 = vector.shape_cast %get3A_435 : vector<1x16xf32> to vector<16xf32>
        %add3A_437 = arith.addf %get3A_408, %get3A_412 : vector<16xf32>
        %mul3A_438 = arith.constant 0.00999999977 : f32
        %mul3A_439 = vector.broadcast %mul3A_438 : f32 to vector<16xf32>
        %mul3A_440 = arith.mulf %mul3A_439, %add3A_437 : vector<16xf32>
        %max3A_441 = arith.maximumf %add3A_437, %mul3A_440 : vector<16xf32>
        %swap3A_442 = arith.index_cast %scan3A_424 : i32 to index
        %swap3A_443 = arith.constant 0 : index
        %swap3A_444 = tpu.vector_load %arg19[%swap3A_442, %swap3A_443] {strides = array<i32>} : memref<128x16xf32, #tpu.memory_space<vmem>>, vector<1x16xf32>,
        %swap3A_445 = vector.shape_cast %swap3A_444 : vector<1x16xf32> to vector<16xf32>
        %swap3A_446 = vector.shape_cast %max3A_441 : vector<16xf32> to vector<1x16xf32>
        tpu.vector_store %arg19[%swap3A_442, %swap3A_443], %swap3A_446 {strides = array<i32>} : memref<128x16xf32, #tpu.memory_space<vmem>>, vector<1x16xf32>,
        %scan3A_447 = arith.constant 6 : i32
        %scan3A_448 = arith.addi %scan3A_305, %scan3A_447 : i32
        %add3A_449 = arith.constant 1 : i32
        %add3A_450 = arith.addi %scan3A_448, %add3A_449 : i32
        %and3A_451 = arith.constant 127 : i32
        %and3A_452 = arith.andi %add3A_450, %and3A_451 : i32
        %get3A_453 = arith.index_cast %and3A_452 : i32 to index
        %get3A_454 = arith.constant 0 : index
        %get3A_455 = tpu.vector_load %arg11[%get3A_453, %get3A_454] {strides = array<i32>} : memref<128x16xf32, #tpu.memory_space<vmem>>, vector<1x16xf32>,
        %get3A_456 = vector.shape_cast %get3A_455 : vector<1x16xf32> to vector<16xf32>
        %get3A_457 = arith.index_cast %and3A_452 : i32 to index
        %get3A_458 = arith.constant 0 : index
        %get3A_459 = tpu.vector_load %arg15[%get3A_457, %get3A_458] {strides = array<i32>} : memref<128x16xf32, #tpu.memory_space<vmem>>, vector<1x16xf32>,
        %get3A_460 = vector.shape_cast %get3A_459 : vector<1x16xf32> to vector<16xf32>
        %add3A_461 = arith.addf %get3A_432, %get3A_436 : vector<16xf32>
        %mul3A_462 = arith.constant 0.00999999977 : f32
        %mul3A_463 = vector.broadcast %mul3A_462 : f32 to vector<16xf32>
        %mul3A_464 = arith.mulf %mul3A_463, %add3A_461 : vector<16xf32>
        %max3A_465 = arith.maximumf %add3A_461, %mul3A_464 : vector<16xf32>
        %swap3A_466 = arith.index_cast %scan3A_448 : i32 to index
        %swap3A_467 = arith.constant 0 : index
        %swap3A_468 = tpu.vector_load %arg19[%swap3A_466, %swap3A_467] {strides = array<i32>} : memref<128x16xf32, #tpu.memory_space<vmem>>, vector<1x16xf32>,
        %swap3A_469 = vector.shape_cast %swap3A_468 : vector<1x16xf32> to vector<16xf32>
        %swap3A_470 = vector.shape_cast %max3A_465 : vector<16xf32> to vector<1x16xf32>
        tpu.vector_store %arg19[%swap3A_466, %swap3A_467], %swap3A_470 {strides = array<i32>} : memref<128x16xf32, #tpu.memory_space<vmem>>, vector<1x16xf32>,
        %scan3A_471 = arith.constant 7 : i32
        %scan3A_472 = arith.addi %scan3A_305, %scan3A_471 : i32
        %add3A_473 = arith.constant 1 : i32
        %add3A_474 = arith.addi %scan3A_472, %add3A_473 : i32
        %and3A_475 = arith.constant 127 : i32
        %and3A_476 = arith.andi %add3A_474, %and3A_475 : i32
        %get3A_477 = arith.index_cast %and3A_476 : i32 to index
        %get3A_478 = arith.constant 0 : index
        %get3A_479 = tpu.vector_load %arg11[%get3A_477, %get3A_478] {strides = array<i32>} : memref<128x16xf32, #tpu.memory_space<vmem>>, vector<1x16xf32>,
        %get3A_480 = vector.shape_cast %get3A_479 : vector<1x16xf32> to vector<16xf32>
        %get3A_481 = arith.index_cast %and3A_476 : i32 to index
        %get3A_482 = arith.constant 0 : index
        %get3A_483 = tpu.vector_load %arg15[%get3A_481, %get3A_482] {strides = array<i32>} : memref<128x16xf32, #tpu.memory_space<vmem>>, vector<1x16xf32>,
        %get3A_484 = vector.shape_cast %get3A_483 : vector<1x16xf32> to vector<16xf32>
        %add3A_485 = arith.addf %get3A_456, %get3A_460 : vector<16xf32>
        %mul3A_486 = arith.constant 0.00999999977 : f32
        %mul3A_487 = vector.broadcast %mul3A_486 : f32 to vector<16xf32>
        %mul3A_488 = arith.mulf %mul3A_487, %add3A_485 : vector<16xf32>
        %max3A_489 = arith.maximumf %add3A_485, %mul3A_488 : vector<16xf32>
        %swap3A_490 = arith.index_cast %scan3A_472 : i32 to index
        %swap3A_491 = arith.constant 0 : index
        %swap3A_492 = tpu.vector_load %arg19[%swap3A_490, %swap3A_491] {strides = array<i32>} : memref<128x16xf32, #tpu.memory_space<vmem>>, vector<1x16xf32>,
        %swap3A_493 = vector.shape_cast %swap3A_492 : vector<1x16xf32> to vector<16xf32>
        %swap3A_494 = vector.shape_cast %max3A_489 : vector<16xf32> to vector<1x16xf32>
        tpu.vector_store %arg19[%swap3A_490, %swap3A_491], %swap3A_494 {strides = array<i32>} : memref<128x16xf32, #tpu.memory_space<vmem>>, vector<1x16xf32>,
        scf.yield %get3A_480, %get3A_484 : vector<16xf32>, vector<16xf32>
      }
      %scan3A_245 = arith.constant 128 : i32
      %lt3A_246 = arith.constant 19 : i32
      %lt3A_247 = arith.cmpi slt, %scan3A_117, %lt3A_246 : i32
      %convert_element_type3A_248 = arith.extui %lt3A_247 : i1 to i32
      %cond3A_249 = arith.constant 0 : i32
      %cond3A_250 = arith.cmpi ne, %convert_element_type3A_248, %cond3A_249 : i32
      scf.if %cond3A_250 {
        %add3A_305 = arith.constant 4 : i32
        %add3A_306 = arith.addi %add3A_212, %add3A_305 : i32
        %dma_start3A_307 = arith.constant 0 : i32
        %dma_start3A_308 = tpu.memref_slice %arg7[%add3A_306, %dma_start3A_307] : memref<80x128xi32, #tpu.memory_space<vmem>> -> memref<1x128xi32, #tpu.memory_space<vmem>>
        %dma_start3A_309 = tpu.memref_squeeze %dma_start3A_308 : memref<1x128xi32, #tpu.memory_space<vmem>> -> memref<128xi32, #tpu.memory_space<vmem>>
        %dma_start3A_310 = arith.constant 0 : i32
        %dma_start3A_311 = arith.constant 0 : i32
        %dma_start3A_312 = tpu.memref_slice %arg2[%dma_start3A_310, %dma_start3A_311] : memref<10240x16xf32, #tpu.memory_space<hbm>> -> memref<10240x16xf32, #tpu.memory_space<hbm>>
        tpu.enqueue_indirect_dma source(%dma_start3A_312 : memref<10240x16xf32, #tpu.memory_space<hbm>>) target(%arg11 : memref<128x16xf32, #tpu.memory_space<vmem>>) offsets(%dma_start3A_309 : memref<128xi32, #tpu.memory_space<vmem>>) semaphore(%arg25 : memref<!tpu.dma_semaphore, #tpu.memory_space<semaphore_mem>>)
        %add3A_313 = arith.constant 4 : i32
        %add3A_314 = arith.addi %add3A_212, %add3A_313 : i32
        %dma_start3A_315 = arith.constant 0 : i32
        %dma_start3A_316 = tpu.memref_slice %arg8[%add3A_314, %dma_start3A_315] : memref<80x128xi32, #tpu.memory_space<vmem>> -> memref<1x128xi32, #tpu.memory_space<vmem>>
        %dma_start3A_317 = tpu.memref_squeeze %dma_start3A_316 : memref<1x128xi32, #tpu.memory_space<vmem>> -> memref<128xi32, #tpu.memory_space<vmem>>
        %dma_start3A_318 = arith.constant 0 : i32
        %dma_start3A_319 = arith.constant 0 : i32
        %dma_start3A_320 = tpu.memref_slice %arg3[%dma_start3A_318, %dma_start3A_319] : memref<10240x16xf32, #tpu.memory_space<hbm>> -> memref<10240x16xf32, #tpu.memory_space<hbm>>
        tpu.enqueue_indirect_dma source(%dma_start3A_320 : memref<10240x16xf32, #tpu.memory_space<hbm>>) target(%arg15 : memref<128x16xf32, #tpu.memory_space<vmem>>) offsets(%dma_start3A_317 : memref<128xi32, #tpu.memory_space<vmem>>) semaphore(%arg25 : memref<!tpu.dma_semaphore, #tpu.memory_space<semaphore_mem>>)
      } else {
      }
      %dma_start3A_251 = arith.constant 0 : i32
      %dma_start3A_252 = tpu.memref_slice %arg7[%add3A_212, %dma_start3A_251] : memref<80x128xi32, #tpu.memory_space<vmem>> -> memref<1x128xi32, #tpu.memory_space<vmem>>
      %dma_start3A_253 = tpu.memref_squeeze %dma_start3A_252 : memref<1x128xi32, #tpu.memory_space<vmem>> -> memref<128xi32, #tpu.memory_space<vmem>>
      %dma_start3A_254 = arith.constant 0 : i32
      %dma_start3A_255 = arith.constant 0 : i32
      %dma_start3A_256 = tpu.memref_slice %arg22[%dma_start3A_254, %dma_start3A_255] : memref<10240x16xf32, #tpu.memory_space<vmem_shared>> -> memref<10240x16xf32, #tpu.memory_space<vmem_shared>>
      tpu.enqueue_indirect_dma source(%arg19 : memref<128x16xf32, #tpu.memory_space<vmem>>) target(%dma_start3A_256 : memref<10240x16xf32, #tpu.memory_space<vmem_shared>>) offsets(%dma_start3A_253 : memref<128xi32, #tpu.memory_space<vmem>>) semaphore(%arg29 : memref<!tpu.dma_semaphore, #tpu.memory_space<semaphore_mem>>) {add = true}
      %mul3A_257 = arith.constant 4 : i32
      %mul3A_258 = arith.muli %scan3A_117, %mul3A_257 : i32
      %add3A_259 = arith.constant 3 : i32
      %add3A_260 = arith.addi %mul3A_258, %add3A_259 : i32
      %dma_wait3A_261 = arith.constant 0 : i32
      %dma_wait3A_262 = arith.constant 0 : i32
      %dma_wait3A_263 = tpu.memref_slice %arg2[%dma_wait3A_261, %dma_wait3A_262] : memref<10240x16xf32, #tpu.memory_space<hbm>> -> memref<128x16xf32, #tpu.memory_space<hbm>>
      %dma_wait3A_264 = arith.constant 0 : i32
      %dma_wait3A_265 = arith.constant 0 : i32
      %dma_wait3A_266 = tpu.memref_slice %arg2[%dma_wait3A_264, %dma_wait3A_265] : memref<10240x16xf32, #tpu.memory_space<hbm>> -> memref<128x16xf32, #tpu.memory_space<hbm>>
      tpu.wait_dma2 semaphore(%arg26 : memref<!tpu.dma_semaphore, #tpu.memory_space<semaphore_mem>>) src(%dma_wait3A_266 : memref<128x16xf32, #tpu.memory_space<hbm>>) dst(%arg12 : memref<128x16xf32, #tpu.memory_space<vmem>>)
      %dma_wait3A_267 = arith.constant 0 : i32
      %dma_wait3A_268 = arith.constant 0 : i32
      %dma_wait3A_269 = tpu.memref_slice %arg3[%dma_wait3A_267, %dma_wait3A_268] : memref<10240x16xf32, #tpu.memory_space<hbm>> -> memref<128x16xf32, #tpu.memory_space<hbm>>
      %dma_wait3A_270 = arith.constant 0 : i32
      %dma_wait3A_271 = arith.constant 0 : i32
      %dma_wait3A_272 = tpu.memref_slice %arg3[%dma_wait3A_270, %dma_wait3A_271] : memref<10240x16xf32, #tpu.memory_space<hbm>> -> memref<128x16xf32, #tpu.memory_space<hbm>>
      tpu.wait_dma2 semaphore(%arg26 : memref<!tpu.dma_semaphore, #tpu.memory_space<semaphore_mem>>) src(%dma_wait3A_272 : memref<128x16xf32, #tpu.memory_space<hbm>>) dst(%arg16 : memref<128x16xf32, #tpu.memory_space<vmem>>)
      %gt3A_273 = arith.constant 0 : i32
      %gt3A_274 = arith.cmpi sgt, %scan3A_117, %gt3A_273 : i32
      %convert_element_type3A_275 = arith.extui %gt3A_274 : i1 to i32
      %cond3A_276 = arith.constant 0 : i32
      %cond3A_277 = arith.cmpi ne, %convert_element_type3A_275, %cond3A_276 : i32
      scf.if %cond3A_277 {
        %dma_wait3A_305 = arith.constant 0 : i32
        %dma_wait3A_306 = arith.constant 0 : i32
        %dma_wait3A_307 = tpu.memref_slice %arg22[%dma_wait3A_305, %dma_wait3A_306] : memref<10240x16xf32, #tpu.memory_space<vmem_shared>> -> memref<128x16xf32, #tpu.memory_space<vmem_shared>>
        %dma_wait3A_308 = arith.constant 0 : i32
        %dma_wait3A_309 = arith.constant 0 : i32
        %dma_wait3A_310 = tpu.memref_slice %arg22[%dma_wait3A_308, %dma_wait3A_309] : memref<10240x16xf32, #tpu.memory_space<vmem_shared>> -> memref<128x16xf32, #tpu.memory_space<vmem_shared>>
        tpu.wait_dma2 semaphore(%arg30 : memref<!tpu.dma_semaphore, #tpu.memory_space<semaphore_mem>>) src(%arg20 : memref<128x16xf32, #tpu.memory_space<vmem>>) dst(%dma_wait3A_310 : memref<128x16xf32, #tpu.memory_space<vmem_shared>>)
      } else {
      }
      %get3A_278 = arith.constant 0 : i32
      %get3A_279 = arith.index_cast %get3A_278 : i32 to index
      %get3A_280 = arith.constant 0 : index
      %get3A_281 = tpu.vector_load %arg12[%get3A_279, %get3A_280] {strides = array<i32>} : memref<128x16xf32, #tpu.memory_space<vmem>>, vector<1x16xf32>,
      %get3A_282 = vector.shape_cast %get3A_281 : vector<1x16xf32> to vector<16xf32>
      %get3A_283 = arith.constant 0 : i32
      %get3A_284 = arith.index_cast %get3A_283 : i32 to index
      %get3A_285 = arith.constant 0 : index
      %get3A_286 = tpu.vector_load %arg16[%get3A_284, %get3A_285] {strides = array<i32>} : memref<128x16xf32, #tpu.memory_space<vmem>>, vector<1x16xf32>,
      %get3A_287 = vector.shape_cast %get3A_286 : vector<1x16xf32> to vector<16xf32>
      %scan3A_288 = arith.constant 0 : i32
      %scan3A_289 = arith.constant 128 : i32
      %scan3A_290 = arith.addi %scan3A_288, %scan3A_289 : i32
      %scan3A_291 = arith.constant 8 : i32
      %scan3A_292:2 = scf.for %scan3A_305 = %scan3A_288 to %scan3A_290 step %scan3A_291 iter_args(%scan3A_306 = %get3A_282, %scan3A_307 = %get3A_287) -> (vector<16xf32>, vector<16xf32>)  : i32 {
        %add3A_308 = arith.constant 1 : i32
        %add3A_309 = arith.addi %scan3A_305, %add3A_308 : i32
        %and3A = arith.constant 127 : i32
        %and3A_310 = arith.andi %add3A_309, %and3A : i32
        %get3A_311 = arith.index_cast %and3A_310 : i32 to index
        %get3A_312 = arith.constant 0 : index
        %get3A_313 = tpu.vector_load %arg12[%get3A_311, %get3A_312] {strides = array<i32>} : memref<128x16xf32, #tpu.memory_space<vmem>>, vector<1x16xf32>,
        %get3A_314 = vector.shape_cast %get3A_313 : vector<1x16xf32> to vector<16xf32>
        %get3A_315 = arith.index_cast %and3A_310 : i32 to index
        %get3A_316 = arith.constant 0 : index
        %get3A_317 = tpu.vector_load %arg16[%get3A_315, %get3A_316] {strides = array<i32>} : memref<128x16xf32, #tpu.memory_space<vmem>>, vector<1x16xf32>,
        %get3A_318 = vector.shape_cast %get3A_317 : vector<1x16xf32> to vector<16xf32>
        %add3A_319 = arith.addf %scan3A_306, %scan3A_307 : vector<16xf32>
        %mul3A_320 = arith.constant 0.00999999977 : f32
        %mul3A_321 = vector.broadcast %mul3A_320 : f32 to vector<16xf32>
        %mul3A_322 = arith.mulf %mul3A_321, %add3A_319 : vector<16xf32>
        %max3A = arith.maximumf %add3A_319, %mul3A_322 : vector<16xf32>
        %swap3A = arith.index_cast %scan3A_305 : i32 to index
        %swap3A_323 = arith.constant 0 : index
        %swap3A_324 = tpu.vector_load %arg20[%swap3A, %swap3A_323] {strides = array<i32>} : memref<128x16xf32, #tpu.memory_space<vmem>>, vector<1x16xf32>,
        %swap3A_325 = vector.shape_cast %swap3A_324 : vector<1x16xf32> to vector<16xf32>
        %swap3A_326 = vector.shape_cast %max3A : vector<16xf32> to vector<1x16xf32>
        tpu.vector_store %arg20[%swap3A, %swap3A_323], %swap3A_326 {strides = array<i32>} : memref<128x16xf32, #tpu.memory_space<vmem>>, vector<1x16xf32>,
        %scan3A_327 = arith.constant 1 : i32
        %scan3A_328 = arith.addi %scan3A_305, %scan3A_327 : i32
        %add3A_329 = arith.constant 1 : i32
        %add3A_330 = arith.addi %scan3A_328, %add3A_329 : i32
        %and3A_331 = arith.constant 127 : i32
        %and3A_332 = arith.andi %add3A_330, %and3A_331 : i32
        %get3A_333 = arith.index_cast %and3A_332 : i32 to index
        %get3A_334 = arith.constant 0 : index
        %get3A_335 = tpu.vector_load %arg12[%get3A_333, %get3A_334] {strides = array<i32>} : memref<128x16xf32, #tpu.memory_space<vmem>>, vector<1x16xf32>,
        %get3A_336 = vector.shape_cast %get3A_335 : vector<1x16xf32> to vector<16xf32>
        %get3A_337 = arith.index_cast %and3A_332 : i32 to index
        %get3A_338 = arith.constant 0 : index
        %get3A_339 = tpu.vector_load %arg16[%get3A_337, %get3A_338] {strides = array<i32>} : memref<128x16xf32, #tpu.memory_space<vmem>>, vector<1x16xf32>,
        %get3A_340 = vector.shape_cast %get3A_339 : vector<1x16xf32> to vector<16xf32>
        %add3A_341 = arith.addf %get3A_314, %get3A_318 : vector<16xf32>
        %mul3A_342 = arith.constant 0.00999999977 : f32
        %mul3A_343 = vector.broadcast %mul3A_342 : f32 to vector<16xf32>
        %mul3A_344 = arith.mulf %mul3A_343, %add3A_341 : vector<16xf32>
        %max3A_345 = arith.maximumf %add3A_341, %mul3A_344 : vector<16xf32>
        %swap3A_346 = arith.index_cast %scan3A_328 : i32 to index
        %swap3A_347 = arith.constant 0 : index
        %swap3A_348 = tpu.vector_load %arg20[%swap3A_346, %swap3A_347] {strides = array<i32>} : memref<128x16xf32, #tpu.memory_space<vmem>>, vector<1x16xf32>,
        %swap3A_349 = vector.shape_cast %swap3A_348 : vector<1x16xf32> to vector<16xf32>
        %swap3A_350 = vector.shape_cast %max3A_345 : vector<16xf32> to vector<1x16xf32>
        tpu.vector_store %arg20[%swap3A_346, %swap3A_347], %swap3A_350 {strides = array<i32>} : memref<128x16xf32, #tpu.memory_space<vmem>>, vector<1x16xf32>,
        %scan3A_351 = arith.constant 2 : i32
        %scan3A_352 = arith.addi %scan3A_305, %scan3A_351 : i32
        %add3A_353 = arith.constant 1 : i32
        %add3A_354 = arith.addi %scan3A_352, %add3A_353 : i32
        %and3A_355 = arith.constant 127 : i32
        %and3A_356 = arith.andi %add3A_354, %and3A_355 : i32
        %get3A_357 = arith.index_cast %and3A_356 : i32 to index
        %get3A_358 = arith.constant 0 : index
        %get3A_359 = tpu.vector_load %arg12[%get3A_357, %get3A_358] {strides = array<i32>} : memref<128x16xf32, #tpu.memory_space<vmem>>, vector<1x16xf32>,
        %get3A_360 = vector.shape_cast %get3A_359 : vector<1x16xf32> to vector<16xf32>
        %get3A_361 = arith.index_cast %and3A_356 : i32 to index
        %get3A_362 = arith.constant 0 : index
        %get3A_363 = tpu.vector_load %arg16[%get3A_361, %get3A_362] {strides = array<i32>} : memref<128x16xf32, #tpu.memory_space<vmem>>, vector<1x16xf32>,
        %get3A_364 = vector.shape_cast %get3A_363 : vector<1x16xf32> to vector<16xf32>
        %add3A_365 = arith.addf %get3A_336, %get3A_340 : vector<16xf32>
        %mul3A_366 = arith.constant 0.00999999977 : f32
        %mul3A_367 = vector.broadcast %mul3A_366 : f32 to vector<16xf32>
        %mul3A_368 = arith.mulf %mul3A_367, %add3A_365 : vector<16xf32>
        %max3A_369 = arith.maximumf %add3A_365, %mul3A_368 : vector<16xf32>
        %swap3A_370 = arith.index_cast %scan3A_352 : i32 to index
        %swap3A_371 = arith.constant 0 : index
        %swap3A_372 = tpu.vector_load %arg20[%swap3A_370, %swap3A_371] {strides = array<i32>} : memref<128x16xf32, #tpu.memory_space<vmem>>, vector<1x16xf32>,
        %swap3A_373 = vector.shape_cast %swap3A_372 : vector<1x16xf32> to vector<16xf32>
        %swap3A_374 = vector.shape_cast %max3A_369 : vector<16xf32> to vector<1x16xf32>
        tpu.vector_store %arg20[%swap3A_370, %swap3A_371], %swap3A_374 {strides = array<i32>} : memref<128x16xf32, #tpu.memory_space<vmem>>, vector<1x16xf32>,
        %scan3A_375 = arith.constant 3 : i32
        %scan3A_376 = arith.addi %scan3A_305, %scan3A_375 : i32
        %add3A_377 = arith.constant 1 : i32
        %add3A_378 = arith.addi %scan3A_376, %add3A_377 : i32
        %and3A_379 = arith.constant 127 : i32
        %and3A_380 = arith.andi %add3A_378, %and3A_379 : i32
        %get3A_381 = arith.index_cast %and3A_380 : i32 to index
        %get3A_382 = arith.constant 0 : index
        %get3A_383 = tpu.vector_load %arg12[%get3A_381, %get3A_382] {strides = array<i32>} : memref<128x16xf32, #tpu.memory_space<vmem>>, vector<1x16xf32>,
        %get3A_384 = vector.shape_cast %get3A_383 : vector<1x16xf32> to vector<16xf32>
        %get3A_385 = arith.index_cast %and3A_380 : i32 to index
        %get3A_386 = arith.constant 0 : index
        %get3A_387 = tpu.vector_load %arg16[%get3A_385, %get3A_386] {strides = array<i32>} : memref<128x16xf32, #tpu.memory_space<vmem>>, vector<1x16xf32>,
        %get3A_388 = vector.shape_cast %get3A_387 : vector<1x16xf32> to vector<16xf32>
        %add3A_389 = arith.addf %get3A_360, %get3A_364 : vector<16xf32>
        %mul3A_390 = arith.constant 0.00999999977 : f32
        %mul3A_391 = vector.broadcast %mul3A_390 : f32 to vector<16xf32>
        %mul3A_392 = arith.mulf %mul3A_391, %add3A_389 : vector<16xf32>
        %max3A_393 = arith.maximumf %add3A_389, %mul3A_392 : vector<16xf32>
        %swap3A_394 = arith.index_cast %scan3A_376 : i32 to index
        %swap3A_395 = arith.constant 0 : index
        %swap3A_396 = tpu.vector_load %arg20[%swap3A_394, %swap3A_395] {strides = array<i32>} : memref<128x16xf32, #tpu.memory_space<vmem>>, vector<1x16xf32>,
        %swap3A_397 = vector.shape_cast %swap3A_396 : vector<1x16xf32> to vector<16xf32>
        %swap3A_398 = vector.shape_cast %max3A_393 : vector<16xf32> to vector<1x16xf32>
        tpu.vector_store %arg20[%swap3A_394, %swap3A_395], %swap3A_398 {strides = array<i32>} : memref<128x16xf32, #tpu.memory_space<vmem>>, vector<1x16xf32>,
        %scan3A_399 = arith.constant 4 : i32
        %scan3A_400 = arith.addi %scan3A_305, %scan3A_399 : i32
        %add3A_401 = arith.constant 1 : i32
        %add3A_402 = arith.addi %scan3A_400, %add3A_401 : i32
        %and3A_403 = arith.constant 127 : i32
        %and3A_404 = arith.andi %add3A_402, %and3A_403 : i32
        %get3A_405 = arith.index_cast %and3A_404 : i32 to index
        %get3A_406 = arith.constant 0 : index
        %get3A_407 = tpu.vector_load %arg12[%get3A_405, %get3A_406] {strides = array<i32>} : memref<128x16xf32, #tpu.memory_space<vmem>>, vector<1x16xf32>,
        %get3A_408 = vector.shape_cast %get3A_407 : vector<1x16xf32> to vector<16xf32>
        %get3A_409 = arith.index_cast %and3A_404 : i32 to index
        %get3A_410 = arith.constant 0 : index
        %get3A_411 = tpu.vector_load %arg16[%get3A_409, %get3A_410] {strides = array<i32>} : memref<128x16xf32, #tpu.memory_space<vmem>>, vector<1x16xf32>,
        %get3A_412 = vector.shape_cast %get3A_411 : vector<1x16xf32> to vector<16xf32>
        %add3A_413 = arith.addf %get3A_384, %get3A_388 : vector<16xf32>
        %mul3A_414 = arith.constant 0.00999999977 : f32
        %mul3A_415 = vector.broadcast %mul3A_414 : f32 to vector<16xf32>
        %mul3A_416 = arith.mulf %mul3A_415, %add3A_413 : vector<16xf32>
        %max3A_417 = arith.maximumf %add3A_413, %mul3A_416 : vector<16xf32>
        %swap3A_418 = arith.index_cast %scan3A_400 : i32 to index
        %swap3A_419 = arith.constant 0 : index
        %swap3A_420 = tpu.vector_load %arg20[%swap3A_418, %swap3A_419] {strides = array<i32>} : memref<128x16xf32, #tpu.memory_space<vmem>>, vector<1x16xf32>,
        %swap3A_421 = vector.shape_cast %swap3A_420 : vector<1x16xf32> to vector<16xf32>
        %swap3A_422 = vector.shape_cast %max3A_417 : vector<16xf32> to vector<1x16xf32>
        tpu.vector_store %arg20[%swap3A_418, %swap3A_419], %swap3A_422 {strides = array<i32>} : memref<128x16xf32, #tpu.memory_space<vmem>>, vector<1x16xf32>,
        %scan3A_423 = arith.constant 5 : i32
        %scan3A_424 = arith.addi %scan3A_305, %scan3A_423 : i32
        %add3A_425 = arith.constant 1 : i32
        %add3A_426 = arith.addi %scan3A_424, %add3A_425 : i32
        %and3A_427 = arith.constant 127 : i32
        %and3A_428 = arith.andi %add3A_426, %and3A_427 : i32
        %get3A_429 = arith.index_cast %and3A_428 : i32 to index
        %get3A_430 = arith.constant 0 : index
        %get3A_431 = tpu.vector_load %arg12[%get3A_429, %get3A_430] {strides = array<i32>} : memref<128x16xf32, #tpu.memory_space<vmem>>, vector<1x16xf32>,
        %get3A_432 = vector.shape_cast %get3A_431 : vector<1x16xf32> to vector<16xf32>
        %get3A_433 = arith.index_cast %and3A_428 : i32 to index
        %get3A_434 = arith.constant 0 : index
        %get3A_435 = tpu.vector_load %arg16[%get3A_433, %get3A_434] {strides = array<i32>} : memref<128x16xf32, #tpu.memory_space<vmem>>, vector<1x16xf32>,
        %get3A_436 = vector.shape_cast %get3A_435 : vector<1x16xf32> to vector<16xf32>
        %add3A_437 = arith.addf %get3A_408, %get3A_412 : vector<16xf32>
        %mul3A_438 = arith.constant 0.00999999977 : f32
        %mul3A_439 = vector.broadcast %mul3A_438 : f32 to vector<16xf32>
        %mul3A_440 = arith.mulf %mul3A_439, %add3A_437 : vector<16xf32>
        %max3A_441 = arith.maximumf %add3A_437, %mul3A_440 : vector<16xf32>
        %swap3A_442 = arith.index_cast %scan3A_424 : i32 to index
        %swap3A_443 = arith.constant 0 : index
        %swap3A_444 = tpu.vector_load %arg20[%swap3A_442, %swap3A_443] {strides = array<i32>} : memref<128x16xf32, #tpu.memory_space<vmem>>, vector<1x16xf32>,
        %swap3A_445 = vector.shape_cast %swap3A_444 : vector<1x16xf32> to vector<16xf32>
        %swap3A_446 = vector.shape_cast %max3A_441 : vector<16xf32> to vector<1x16xf32>
        tpu.vector_store %arg20[%swap3A_442, %swap3A_443], %swap3A_446 {strides = array<i32>} : memref<128x16xf32, #tpu.memory_space<vmem>>, vector<1x16xf32>,
        %scan3A_447 = arith.constant 6 : i32
        %scan3A_448 = arith.addi %scan3A_305, %scan3A_447 : i32
        %add3A_449 = arith.constant 1 : i32
        %add3A_450 = arith.addi %scan3A_448, %add3A_449 : i32
        %and3A_451 = arith.constant 127 : i32
        %and3A_452 = arith.andi %add3A_450, %and3A_451 : i32
        %get3A_453 = arith.index_cast %and3A_452 : i32 to index
        %get3A_454 = arith.constant 0 : index
        %get3A_455 = tpu.vector_load %arg12[%get3A_453, %get3A_454] {strides = array<i32>} : memref<128x16xf32, #tpu.memory_space<vmem>>, vector<1x16xf32>,
        %get3A_456 = vector.shape_cast %get3A_455 : vector<1x16xf32> to vector<16xf32>
        %get3A_457 = arith.index_cast %and3A_452 : i32 to index
        %get3A_458 = arith.constant 0 : index
        %get3A_459 = tpu.vector_load %arg16[%get3A_457, %get3A_458] {strides = array<i32>} : memref<128x16xf32, #tpu.memory_space<vmem>>, vector<1x16xf32>,
        %get3A_460 = vector.shape_cast %get3A_459 : vector<1x16xf32> to vector<16xf32>
        %add3A_461 = arith.addf %get3A_432, %get3A_436 : vector<16xf32>
        %mul3A_462 = arith.constant 0.00999999977 : f32
        %mul3A_463 = vector.broadcast %mul3A_462 : f32 to vector<16xf32>
        %mul3A_464 = arith.mulf %mul3A_463, %add3A_461 : vector<16xf32>
        %max3A_465 = arith.maximumf %add3A_461, %mul3A_464 : vector<16xf32>
        %swap3A_466 = arith.index_cast %scan3A_448 : i32 to index
        %swap3A_467 = arith.constant 0 : index
        %swap3A_468 = tpu.vector_load %arg20[%swap3A_466, %swap3A_467] {strides = array<i32>} : memref<128x16xf32, #tpu.memory_space<vmem>>, vector<1x16xf32>,
        %swap3A_469 = vector.shape_cast %swap3A_468 : vector<1x16xf32> to vector<16xf32>
        %swap3A_470 = vector.shape_cast %max3A_465 : vector<16xf32> to vector<1x16xf32>
        tpu.vector_store %arg20[%swap3A_466, %swap3A_467], %swap3A_470 {strides = array<i32>} : memref<128x16xf32, #tpu.memory_space<vmem>>, vector<1x16xf32>,
        %scan3A_471 = arith.constant 7 : i32
        %scan3A_472 = arith.addi %scan3A_305, %scan3A_471 : i32
        %add3A_473 = arith.constant 1 : i32
        %add3A_474 = arith.addi %scan3A_472, %add3A_473 : i32
        %and3A_475 = arith.constant 127 : i32
        %and3A_476 = arith.andi %add3A_474, %and3A_475 : i32
        %get3A_477 = arith.index_cast %and3A_476 : i32 to index
        %get3A_478 = arith.constant 0 : index
        %get3A_479 = tpu.vector_load %arg12[%get3A_477, %get3A_478] {strides = array<i32>} : memref<128x16xf32, #tpu.memory_space<vmem>>, vector<1x16xf32>,
        %get3A_480 = vector.shape_cast %get3A_479 : vector<1x16xf32> to vector<16xf32>
        %get3A_481 = arith.index_cast %and3A_476 : i32 to index
        %get3A_482 = arith.constant 0 : index
        %get3A_483 = tpu.vector_load %arg16[%get3A_481, %get3A_482] {strides = array<i32>} : memref<128x16xf32, #tpu.memory_space<vmem>>, vector<1x16xf32>,
        %get3A_484 = vector.shape_cast %get3A_483 : vector<1x16xf32> to vector<16xf32>
        %add3A_485 = arith.addf %get3A_456, %get3A_460 : vector<16xf32>
        %mul3A_486 = arith.constant 0.00999999977 : f32
        %mul3A_487 = vector.broadcast %mul3A_486 : f32 to vector<16xf32>
        %mul3A_488 = arith.mulf %mul3A_487, %add3A_485 : vector<16xf32>
        %max3A_489 = arith.maximumf %add3A_485, %mul3A_488 : vector<16xf32>
        %swap3A_490 = arith.index_cast %scan3A_472 : i32 to index
        %swap3A_491 = arith.constant 0 : index
        %swap3A_492 = tpu.vector_load %arg20[%swap3A_490, %swap3A_491] {strides = array<i32>} : memref<128x16xf32, #tpu.memory_space<vmem>>, vector<1x16xf32>,
        %swap3A_493 = vector.shape_cast %swap3A_492 : vector<1x16xf32> to vector<16xf32>
        %swap3A_494 = vector.shape_cast %max3A_489 : vector<16xf32> to vector<1x16xf32>
        tpu.vector_store %arg20[%swap3A_490, %swap3A_491], %swap3A_494 {strides = array<i32>} : memref<128x16xf32, #tpu.memory_space<vmem>>, vector<1x16xf32>,
        scf.yield %get3A_480, %get3A_484 : vector<16xf32>, vector<16xf32>
      }
      %scan3A_293 = arith.constant 128 : i32
      %lt3A_294 = arith.constant 19 : i32
      %lt3A_295 = arith.cmpi slt, %scan3A_117, %lt3A_294 : i32
      %convert_element_type3A_296 = arith.extui %lt3A_295 : i1 to i32
      %cond3A_297 = arith.constant 0 : i32
      %cond3A_298 = arith.cmpi ne, %convert_element_type3A_296, %cond3A_297 : i32
      scf.if %cond3A_298 {
        %add3A_305 = arith.constant 4 : i32
        %add3A_306 = arith.addi %add3A_260, %add3A_305 : i32
        %dma_start3A_307 = arith.constant 0 : i32
        %dma_start3A_308 = tpu.memref_slice %arg7[%add3A_306, %dma_start3A_307] : memref<80x128xi32, #tpu.memory_space<vmem>> -> memref<1x128xi32, #tpu.memory_space<vmem>>
        %dma_start3A_309 = tpu.memref_squeeze %dma_start3A_308 : memref<1x128xi32, #tpu.memory_space<vmem>> -> memref<128xi32, #tpu.memory_space<vmem>>
        %dma_start3A_310 = arith.constant 0 : i32
        %dma_start3A_311 = arith.constant 0 : i32
        %dma_start3A_312 = tpu.memref_slice %arg2[%dma_start3A_310, %dma_start3A_311] : memref<10240x16xf32, #tpu.memory_space<hbm>> -> memref<10240x16xf32, #tpu.memory_space<hbm>>
        tpu.enqueue_indirect_dma source(%dma_start3A_312 : memref<10240x16xf32, #tpu.memory_space<hbm>>) target(%arg12 : memref<128x16xf32, #tpu.memory_space<vmem>>) offsets(%dma_start3A_309 : memref<128xi32, #tpu.memory_space<vmem>>) semaphore(%arg26 : memref<!tpu.dma_semaphore, #tpu.memory_space<semaphore_mem>>)
        %add3A_313 = arith.constant 4 : i32
        %add3A_314 = arith.addi %add3A_260, %add3A_313 : i32
        %dma_start3A_315 = arith.constant 0 : i32
        %dma_start3A_316 = tpu.memref_slice %arg8[%add3A_314, %dma_start3A_315] : memref<80x128xi32, #tpu.memory_space<vmem>> -> memref<1x128xi32, #tpu.memory_space<vmem>>
        %dma_start3A_317 = tpu.memref_squeeze %dma_start3A_316 : memref<1x128xi32, #tpu.memory_space<vmem>> -> memref<128xi32, #tpu.memory_space<vmem>>
        %dma_start3A_318 = arith.constant 0 : i32
        %dma_start3A_319 = arith.constant 0 : i32
        %dma_start3A_320 = tpu.memref_slice %arg3[%dma_start3A_318, %dma_start3A_319] : memref<10240x16xf32, #tpu.memory_space<hbm>> -> memref<10240x16xf32, #tpu.memory_space<hbm>>
        tpu.enqueue_indirect_dma source(%dma_start3A_320 : memref<10240x16xf32, #tpu.memory_space<hbm>>) target(%arg16 : memref<128x16xf32, #tpu.memory_space<vmem>>) offsets(%dma_start3A_317 : memref<128xi32, #tpu.memory_space<vmem>>) semaphore(%arg26 : memref<!tpu.dma_semaphore, #tpu.memory_space<semaphore_mem>>)
      } else {
      }
      %dma_start3A_299 = arith.constant 0 : i32
      %dma_start3A_300 = tpu.memref_slice %arg7[%add3A_260, %dma_start3A_299] : memref<80x128xi32, #tpu.memory_space<vmem>> -> memref<1x128xi32, #tpu.memory_space<vmem>>
      %dma_start3A_301 = tpu.memref_squeeze %dma_start3A_300 : memref<1x128xi32, #tpu.memory_space<vmem>> -> memref<128xi32, #tpu.memory_space<vmem>>
      %dma_start3A_302 = arith.constant 0 : i32
      %dma_start3A_303 = arith.constant 0 : i32
      %dma_start3A_304 = tpu.memref_slice %arg22[%dma_start3A_302, %dma_start3A_303] : memref<10240x16xf32, #tpu.memory_space<vmem_shared>> -> memref<10240x16xf32, #tpu.memory_space<vmem_shared>>
      tpu.enqueue_indirect_dma source(%arg20 : memref<128x16xf32, #tpu.memory_space<vmem>>) target(%dma_start3A_304 : memref<10240x16xf32, #tpu.memory_space<vmem_shared>>) offsets(%dma_start3A_301 : memref<128xi32, #tpu.memory_space<vmem>>) semaphore(%arg30 : memref<!tpu.dma_semaphore, #tpu.memory_space<semaphore_mem>>) {add = true}
    }
    %scan3A_90 = arith.constant 20 : i32
    %dma_wait3A = arith.constant 0 : i32
    %dma_wait3A_91 = arith.constant 0 : i32
    %dma_wait3A_92 = tpu.memref_slice %arg22[%dma_wait3A, %dma_wait3A_91] : memref<10240x16xf32, #tpu.memory_space<vmem_shared>> -> memref<128x16xf32, #tpu.memory_space<vmem_shared>>
    %dma_wait3A_93 = arith.constant 0 : i32
    %dma_wait3A_94 = arith.constant 0 : i32
    %dma_wait3A_95 = tpu.memref_slice %arg22[%dma_wait3A_93, %dma_wait3A_94] : memref<10240x16xf32, #tpu.memory_space<vmem_shared>> -> memref<128x16xf32, #tpu.memory_space<vmem_shared>>
    tpu.wait_dma2 semaphore(%arg27 : memref<!tpu.dma_semaphore, #tpu.memory_space<semaphore_mem>>) src(%arg17 : memref<128x16xf32, #tpu.memory_space<vmem>>) dst(%dma_wait3A_95 : memref<128x16xf32, #tpu.memory_space<vmem_shared>>)
    %dma_wait3A_96 = arith.constant 0 : i32
    %dma_wait3A_97 = arith.constant 0 : i32
    %dma_wait3A_98 = tpu.memref_slice %arg22[%dma_wait3A_96, %dma_wait3A_97] : memref<10240x16xf32, #tpu.memory_space<vmem_shared>> -> memref<128x16xf32, #tpu.memory_space<vmem_shared>>
    %dma_wait3A_99 = arith.constant 0 : i32
    %dma_wait3A_100 = arith.constant 0 : i32
    %dma_wait3A_101 = tpu.memref_slice %arg22[%dma_wait3A_99, %dma_wait3A_100] : memref<10240x16xf32, #tpu.memory_space<vmem_shared>> -> memref<128x16xf32, #tpu.memory_space<vmem_shared>>
    tpu.wait_dma2 semaphore(%arg28 : memref<!tpu.dma_semaphore, #tpu.memory_space<semaphore_mem>>) src(%arg18 : memref<128x16xf32, #tpu.memory_space<vmem>>) dst(%dma_wait3A_101 : memref<128x16xf32, #tpu.memory_space<vmem_shared>>)
    %dma_wait3A_102 = arith.constant 0 : i32
    %dma_wait3A_103 = arith.constant 0 : i32
    %dma_wait3A_104 = tpu.memref_slice %arg22[%dma_wait3A_102, %dma_wait3A_103] : memref<10240x16xf32, #tpu.memory_space<vmem_shared>> -> memref<128x16xf32, #tpu.memory_space<vmem_shared>>
    %dma_wait3A_105 = arith.constant 0 : i32
    %dma_wait3A_106 = arith.constant 0 : i32
    %dma_wait3A_107 = tpu.memref_slice %arg22[%dma_wait3A_105, %dma_wait3A_106] : memref<10240x16xf32, #tpu.memory_space<vmem_shared>> -> memref<128x16xf32, #tpu.memory_space<vmem_shared>>
    tpu.wait_dma2 semaphore(%arg29 : memref<!tpu.dma_semaphore, #tpu.memory_space<semaphore_mem>>) src(%arg19 : memref<128x16xf32, #tpu.memory_space<vmem>>) dst(%dma_wait3A_107 : memref<128x16xf32, #tpu.memory_space<vmem_shared>>)
    %dma_wait3A_108 = arith.constant 0 : i32
    %dma_wait3A_109 = arith.constant 0 : i32
    %dma_wait3A_110 = tpu.memref_slice %arg22[%dma_wait3A_108, %dma_wait3A_109] : memref<10240x16xf32, #tpu.memory_space<vmem_shared>> -> memref<128x16xf32, #tpu.memory_space<vmem_shared>>
    %dma_wait3A_111 = arith.constant 0 : i32
    %dma_wait3A_112 = arith.constant 0 : i32
    %dma_wait3A_113 = tpu.memref_slice %arg22[%dma_wait3A_111, %dma_wait3A_112] : memref<10240x16xf32, #tpu.memory_space<vmem_shared>> -> memref<128x16xf32, #tpu.memory_space<vmem_shared>>
    tpu.wait_dma2 semaphore(%arg30 : memref<!tpu.dma_semaphore, #tpu.memory_space<semaphore_mem>>) src(%arg20 : memref<128x16xf32, #tpu.memory_space<vmem>>) dst(%dma_wait3A_113 : memref<128x16xf32, #tpu.memory_space<vmem_shared>>)
    %barrier3A_114 = arith.constant 0 : index
    tpu.barrier barrier_id(%barrier3A_114)
    %mul3A_115 = arith.constant 640 : i32
    %mul3A_116 = arith.muli %arg1, %mul3A_115 : i32
    "tpu.region"() ({
      %run_scoped3A = tpu.sem_alloc : memref<!tpu.dma_semaphore, #tpu.memory_space<semaphore_mem>>
      %dma_start3A_117 = arith.constant 0 : i32
      %dma_start3A_118 = tpu.memref_slice %arg6[%arg0, %mul3A_116, %dma_start3A_117] : memref<2x10240x16xf32, #tpu.memory_space<hbm>> -> memref<1x640x16xf32, #tpu.memory_space<hbm>>
      %dma_start3A_119 = tpu.memref_squeeze %dma_start3A_118 : memref<1x640x16xf32, #tpu.memory_space<hbm>> -> memref<640x16xf32, #tpu.memory_space<hbm>>
      %dma_start3A_120 = arith.constant 0 : i32
      %dma_start3A_121 = tpu.memref_slice %arg22[%mul3A_116, %dma_start3A_120] : memref<10240x16xf32, #tpu.memory_space<vmem_shared>> -> memref<640x16xf32, #tpu.memory_space<vmem_shared>>
      tpu.enqueue_dma source(%dma_start3A_121 : memref<640x16xf32, #tpu.memory_space<vmem_shared>>) target(%dma_start3A_119 : memref<640x16xf32, #tpu.memory_space<hbm>>) target_semaphore(%run_scoped3A : memref<!tpu.dma_semaphore, #tpu.memory_space<semaphore_mem>>)
      %dma_wait3A_122 = arith.constant 0 : i32
      %dma_wait3A_123 = tpu.memref_slice %arg6[%arg0, %mul3A_116, %dma_wait3A_122] : memref<2x10240x16xf32, #tpu.memory_space<hbm>> -> memref<1x640x16xf32, #tpu.memory_space<hbm>>
      %dma_wait3A_124 = tpu.memref_squeeze %dma_wait3A_123 : memref<1x640x16xf32, #tpu.memory_space<hbm>> -> memref<640x16xf32, #tpu.memory_space<hbm>>
      %dma_wait3A_125 = arith.constant 0 : i32
      %dma_wait3A_126 = tpu.memref_slice %arg22[%mul3A_116, %dma_wait3A_125] : memref<10240x16xf32, #tpu.memory_space<vmem_shared>> -> memref<640x16xf32, #tpu.memory_space<vmem_shared>>
      tpu.wait_dma2 semaphore(%run_scoped3A : memref<!tpu.dma_semaphore, #tpu.memory_space<semaphore_mem>>) src(%dma_wait3A_126 : memref<640x16xf32, #tpu.memory_space<vmem_shared>>) dst(%dma_wait3A_124 : memref<640x16xf32, #tpu.memory_space<hbm>>)
      tpu.yield
    }) : () -> ()
    return
  }
}

module attributes {stable_mosaic.version = 14 : i64} {
  func.func @_pre_body(%arg0: memref<10000x128xf32, #tpu.memory_space<vmem>>, %arg1: memref<256x16xf32, #tpu.memory_space<vmem>>, %arg2: memref<1x16xf32, #tpu.memory_space<vmem>>, %arg3: memref<10240x16xf32, #tpu.memory_space<vmem>>, %arg4: memref<10240x16xf32, #tpu.memory_space<vmem>>) attributes {dimension_semantics = [], scalar_prefetch = 0 : i64, scratch_operands = 0 : i64, tpu.core_type = #tpu.core_type<tc>} {
    %get3A = arith.constant 0 : index
    %get3A_0 = arith.constant 0 : index
    %get3A_1 = vector.load %arg1[%get3A, %get3A_0] : memref<256x16xf32, #tpu.memory_space<vmem>>, vector<256x16xf32>
    %slice3A = vector.extract_strided_slice %get3A_1 {offsets = [128, 0], sizes = [128, 16], strides = [1, 1]} : vector<256x16xf32> to vector<128x16xf32>
    %slice3A_2 = vector.extract_strided_slice %get3A_1 {offsets = [0, 0], sizes = [128, 16], strides = [1, 1]} : vector<256x16xf32> to vector<128x16xf32>
    %sub3A = arith.subf %slice3A_2, %slice3A : vector<128x16xf32>
    %get3A_3 = arith.constant 0 : index
    %get3A_4 = arith.constant 0 : index
    %get3A_5 = vector.load %arg0[%get3A_3, %get3A_4] : memref<10000x128xf32, #tpu.memory_space<vmem>>, vector<10000x128xf32>
    %dot_general3A = arith.constant dense<0.000000e+00> : vector<10000x16xf32>
    %dot_general3A_6 = tpu.matmul %get3A_5, %sub3A, %dot_general3A {dimension_numbers = #tpu.dot_dimension_numbers<[1], [0], [0], [1], [0, 0, 1, 1], [], []>, transpose_lhs_hint = false} : vector<10000x128xf32>, vector<128x16xf32>, vector<10000x16xf32> -> vector<10000x16xf32>
    %get3A_7 = arith.constant 0 : index
    %get3A_8 = arith.constant 0 : index
    %get3A_9 = vector.load %arg2[%get3A_7, %get3A_8] : memref<1x16xf32, #tpu.memory_space<vmem>>, vector<1x16xf32>
    %add3A = vector.broadcast %get3A_9 : vector<1x16xf32> to vector<10000x16xf32>
    %add3A_10 = arith.addf %dot_general3A_6, %add3A : vector<10000x16xf32>
    %dot_general3A_11 = arith.constant dense<0.000000e+00> : vector<10000x16xf32>
    %dot_general3A_12 = tpu.matmul %get3A_5, %slice3A, %dot_general3A_11 {dimension_numbers = #tpu.dot_dimension_numbers<[1], [0], [0], [1], [0, 0, 1, 1], [], []>, transpose_lhs_hint = false} : vector<10000x128xf32>, vector<128x16xf32>, vector<10000x16xf32> -> vector<10000x16xf32>
    %broadcast_in_dim3A = arith.constant 0.000000e+00 : f32
    %broadcast_in_dim3A_13 = vector.broadcast %broadcast_in_dim3A : f32 to vector<240x16xf32>
    %concatenate3A = tpu.concatenate %add3A_10, %broadcast_in_dim3A_13 in 0 : vector<10000x16xf32>, vector<240x16xf32> -> vector<10240x16xf32>
    %swap3A = arith.constant 0 : index
    %swap3A_14 = arith.constant 0 : index
    %swap3A_15 = vector.load %arg3[%swap3A, %swap3A_14] : memref<10240x16xf32, #tpu.memory_space<vmem>>, vector<10240x16xf32>
    tpu.vector_store %arg3[%swap3A, %swap3A_14], %concatenate3A {strides = array<i32>} : memref<10240x16xf32, #tpu.memory_space<vmem>>, vector<10240x16xf32>,
    %concatenate3A_16 = tpu.concatenate %dot_general3A_12, %broadcast_in_dim3A_13 in 0 : vector<10000x16xf32>, vector<240x16xf32> -> vector<10240x16xf32>
    %swap3A_17 = arith.constant 0 : index
    %swap3A_18 = arith.constant 0 : index
    %swap3A_19 = vector.load %arg4[%swap3A_17, %swap3A_18] : memref<10240x16xf32, #tpu.memory_space<vmem>>, vector<10240x16xf32>
    tpu.vector_store %arg4[%swap3A_17, %swap3A_18], %concatenate3A_16 {strides = array<i32>} : memref<10240x16xf32, #tpu.memory_space<vmem>>, vector<10240x16xf32>,
    return
  }
}

module attributes {stable_mosaic.version = 14 : i64} {
  func.func @_post_body(%arg0: memref<2x10240x16xf32, #tpu.memory_space<vmem>>, %arg1: memref<16x16xf32, #tpu.memory_space<vmem>>, %arg2: memref<1x16xf32, #tpu.memory_space<vmem>>, %arg3: memref<1x16xf32, #tpu.memory_space<vmem>>, %arg4: memref<1x16xf32, #tpu.memory_space<vmem>>, %arg5: memref<10240x16xf32, #tpu.memory_space<vmem>>) attributes {dimension_semantics = [], scalar_prefetch = 0 : i64, scratch_operands = 0 : i64, tpu.core_type = #tpu.core_type<tc>} {
    %get3A = arith.constant 0 : index
    %get3A_0 = arith.constant 0 : index
    %get3A_1 = arith.constant 0 : index
    %get3A_2 = vector.load %arg0[%get3A, %get3A_0, %get3A_1] : memref<2x10240x16xf32, #tpu.memory_space<vmem>>, vector<1x10240x16xf32>
    %get3A_3 = vector.shape_cast %get3A_2 : vector<1x10240x16xf32> to vector<10240x16xf32>
    %get3A_4 = arith.constant 1 : index
    %get3A_5 = arith.constant 0 : index
    %get3A_6 = arith.constant 0 : index
    %get3A_7 = vector.load %arg0[%get3A_4, %get3A_5, %get3A_6] : memref<2x10240x16xf32, #tpu.memory_space<vmem>>, vector<1x10240x16xf32>
    %get3A_8 = vector.shape_cast %get3A_7 : vector<1x10240x16xf32> to vector<10240x16xf32>
    %add3A = arith.addf %get3A_3, %get3A_8 : vector<10240x16xf32>
    %get3A_9 = arith.constant 0 : index
    %get3A_10 = arith.constant 0 : index
    %get3A_11 = vector.load %arg1[%get3A_9, %get3A_10] : memref<16x16xf32, #tpu.memory_space<vmem>>, vector<16x16xf32>
    %dot_general3A = arith.constant dense<0.000000e+00> : vector<10240x16xf32>
    %dot_general3A_12 = tpu.matmul %add3A, %get3A_11, %dot_general3A {dimension_numbers = #tpu.dot_dimension_numbers<[1], [0], [0], [1], [0, 0, 1, 1], [], []>, transpose_lhs_hint = false} : vector<10240x16xf32>, vector<16x16xf32>, vector<10240x16xf32> -> vector<10240x16xf32>
    %get3A_13 = arith.constant 0 : index
    %get3A_14 = arith.constant 0 : index
    %get3A_15 = vector.load %arg2[%get3A_13, %get3A_14] : memref<1x16xf32, #tpu.memory_space<vmem>>, vector<1x16xf32>
    %add3A_16 = vector.broadcast %get3A_15 : vector<1x16xf32> to vector<10240x16xf32>
    %add3A_17 = arith.addf %dot_general3A_12, %add3A_16 : vector<10240x16xf32>
    %reduce_sum3A = arith.constant dense<0.000000e+00> : vector<10240xf32>
    %reduce_sum3A_18 = vector.multi_reduction <add>, %add3A_17, %reduce_sum3A [1] : vector<10240x16xf32> to vector<10240xf32>
    %broadcast_in_dim3A = vector.shape_cast %reduce_sum3A_18 : vector<10240xf32> to vector<10240x1xf32>
    %div3A = arith.constant 1.600000e+01 : f32
    %div3A_19 = vector.broadcast %div3A : f32 to vector<10240x1xf32>
    %div3A_20 = arith.divf %broadcast_in_dim3A, %div3A_19 : vector<10240x1xf32>
    %sub3A = vector.broadcast %div3A_20 : vector<10240x1xf32> to vector<10240x16xf32>
    %sub3A_21 = arith.subf %add3A_17, %sub3A : vector<10240x16xf32>
    %integer_pow3A = arith.mulf %sub3A_21, %sub3A_21 : vector<10240x16xf32>
    %reduce_sum3A_22 = arith.constant dense<0.000000e+00> : vector<10240xf32>
    %reduce_sum3A_23 = vector.multi_reduction <add>, %integer_pow3A, %reduce_sum3A_22 [1] : vector<10240x16xf32> to vector<10240xf32>
    %broadcast_in_dim3A_24 = vector.shape_cast %reduce_sum3A_23 : vector<10240xf32> to vector<10240x1xf32>
    %div3A_25 = arith.constant 1.600000e+01 : f32
    %div3A_26 = vector.broadcast %div3A_25 : f32 to vector<10240x1xf32>
    %div3A_27 = arith.divf %broadcast_in_dim3A_24, %div3A_26 : vector<10240x1xf32>
    %sub3A_28 = vector.broadcast %div3A_20 : vector<10240x1xf32> to vector<10240x16xf32>
    %sub3A_29 = arith.subf %add3A_17, %sub3A_28 : vector<10240x16xf32>
    %add3A_30 = arith.constant 9.99999974E-6 : f32
    %add3A_31 = vector.broadcast %add3A_30 : f32 to vector<10240x1xf32>
    %add3A_32 = arith.addf %div3A_27, %add3A_31 : vector<10240x1xf32>
    %sqrt3A = math.sqrt %add3A_32 : vector<10240x1xf32>
    %div3A_33 = vector.broadcast %sqrt3A : vector<10240x1xf32> to vector<10240x16xf32>
    %div3A_34 = arith.divf %sub3A_29, %div3A_33 : vector<10240x16xf32>
    %get3A_35 = arith.constant 0 : index
    %get3A_36 = arith.constant 0 : index
    %get3A_37 = vector.load %arg3[%get3A_35, %get3A_36] : memref<1x16xf32, #tpu.memory_space<vmem>>, vector<1x16xf32>
    %mul3A = vector.broadcast %get3A_37 : vector<1x16xf32> to vector<10240x16xf32>
    %mul3A_38 = arith.mulf %div3A_34, %mul3A : vector<10240x16xf32>
    %get3A_39 = arith.constant 0 : index
    %get3A_40 = arith.constant 0 : index
    %get3A_41 = vector.load %arg4[%get3A_39, %get3A_40] : memref<1x16xf32, #tpu.memory_space<vmem>>, vector<1x16xf32>
    %add3A_42 = vector.broadcast %get3A_41 : vector<1x16xf32> to vector<10240x16xf32>
    %add3A_43 = arith.addf %mul3A_38, %add3A_42 : vector<10240x16xf32>
    %ge3A = arith.constant 0.000000e+00 : f32
    %ge3A_44 = vector.broadcast %ge3A : f32 to vector<10240x16xf32>
    %ge3A_45 = arith.cmpf oge, %add3A_43, %ge3A_44 : vector<10240x16xf32>
    %mul3A_46 = arith.constant 0.00999999977 : f32
    %mul3A_47 = vector.broadcast %mul3A_46 : f32 to vector<10240x16xf32>
    %mul3A_48 = arith.mulf %mul3A_47, %add3A_43 : vector<10240x16xf32>
    %select_n3A = arith.select %ge3A_45, %add3A_43, %mul3A_48 : vector<10240x16xi1>, vector<10240x16xf32>
    %swap3A = arith.constant 0 : index
    %swap3A_49 = arith.constant 0 : index
    %swap3A_50 = vector.load %arg5[%swap3A, %swap3A_49] : memref<10240x16xf32, #tpu.memory_space<vmem>>, vector<10240x16xf32>
    tpu.vector_store %arg5[%swap3A, %swap3A_49], %select_n3A {strides = array<i32>} : memref<10240x16xf32, #tpu.memory_space<vmem>>, vector<10240x16xf32>,
    return
  }
}

</mosaic_0001>

<sc_bundles>
// kernel: kernel.5.cloned.1.call-start
scs
__scs_entry_jumppad:
0x0: {  	(pc) =	sbr.rel $0x88, $3  }
0x1: {  	(tag) =	ssettag $0x0;
	lr =	simm.s32 $0x1  }
0x2: {  	[smem:$0x3F99] =	sst lr;
	_ =	strace $0xD0000000  }
0x3: {  	_ = 	snop  }
0x4: {  	_ = 	snop  }
0x5: {  	_ = 	snop  }
0x6: {  	_ = 	snop  }
0x7: {  	_ = 	snop  }
__scs_overlays_trampoline_lowered:
0x8: {  	[smem:$0x3FA8] =	sst s0  }
0x9: {  	[smem:$0x3FA9] =	sst s1  }
0xa: {  	[smem:$0x3FAA] =	sst s2  }
0xb: {  	[smem:$0x3FAB] =	sst s3  }
0xc: {  	[smem:$0x3FAC] =	sst s4  }
0xd: {  	[smem:$0x3FAD] =	sst s5  }
0xe: {  	[smem:$0x3FAE] =	sst s6  }
0xf: {  	[smem:$0x3FAF] =	sst s7  }
0x10: {  	[smem:$0x3FB0] =	sst s8  }
0x11: {  	[smem:$0x3FB1] =	sst s9;
	s0 =	simm.s32 @!p0 $0x0  }
0x12: {  	s1 =	sld [smem:$0x3F97];
	s0 =	simm.s32 @p0 $0x1  }
0x13: {  	[smem:$0x3FB2] =	sst s0;
	s0 =	simm.s32 @!p1 $0x0  }
0x14: {  	s2 =	sld [smem:$0x3F96];
	s0 =	simm.s32 @p1 $0x1  }
0x15: {  	[smem:$0x3FB3] =	sst s0;
	s0 =	simm.s32 @!p2 $0x0  }
0x16: {  	s3 =	sld [smem:$0x3FDB];
	s0 =	simm.s32 @p2 $0x1  }
0x17: {  	s4 =	simm.s32 $0x1BF5;
	[smem:$0x3FB5] =	sst s0  }
0x18: {  	s0 =	sld [smem:$0x3F98];
	_ =	swait.ge [sflag:s4], $0x0  }
0x19: {  	s7 =	sld [smem:$0x3F99]  }
0x1a: {  	s8 =	sadd.s32 $0xFFFFE003, lr  }
0x1b: {  	s9 =	sadd.s32 $0xFFFFFEF7, lr;
	s5 =	simm.s32 $0xFFFFFFFF;
	p2 =	slt.u32 s8, $0xFFFFF086  }
0x1c: {  	p1 =	slt.u32 s9, $0xF7A;
	s5 =	simm.s32 @!p2 $0x0  }
0x1d: {  	s5 =	simm.s32 @p1 $0x1;
	p0 =	seq.s32 s7, s2  }
0x1e: {  	s7 =	smul.u32 @!p0 $0xF7A, s2;
	p2 =	seq.s32 @!p0 s5, $0x0  }
0x1f: {  	s9 =	smul.u32 $0xF7A, s1;
	s8 =	simm.s32 @!p0 $0x1BF5;
	p2 =	por !p2, p0  }
0x20: {  	[sflag:s8] =	ssyncset.s32 @!p0 $0xFFFFF086;
	s6 =	sadd.s32 @!p0 s3, s7;
	s7 =	simm.s32 @!p0 $0x108  }
0x21: {  	s3 =	sadd.s32 s3, s9;
	s6 =	sadd.s32 @!p0 $0x88, s6;
	s7 =	simm.s32 @p2 $0x1082  }
0x22: {  	[simem:s7], [sflag:s8] =	dma.local @!p0 [hbm:s6], $0xF7A  }
0x23: {  	s9 =	sor.u32 $0xD0000000, s2;
	s6 =	simm.s32 $0x108;
	_ =	swait.ge @!p0 [sflag:s8], $0x0  }
0x24: {  	s3 =	sadd.s32 $0x88, s3;
	s6 =	simm.s32 @!p1 $0x1082;
	[sflag:s4] =	ssyncset.s32 $0xFFFFF086  }
0x25: {  	[simem:s6], [sflag:s4] =	dma.local [hbm:s3], $0xF7A  }
0x26: {  	[smem:$0x3F99] =	sst s1;
	(tag) =	ssettag s2;
	_ =	strace s9  }
0x27: {  	s1 =	sld [smem:$0x3FA9]  }
0x28: {  	s2 =	sld [smem:$0x3FAA]  }
0x29: {  	s4 =	sld [smem:$0x3FAC]  }
0x2a: {  	p0 =	seq.s32 s5, $0x0;
	s5 =	sld [smem:$0x3FAD]  }
0x2b: {  	s6 =	sld [smem:$0x3FAE]  }
0x2c: {  	s7 =	sld [smem:$0x3FAF]  }
0x2d: {  	s3 =	simm.s32 $0x108;
	s8 =	sld [smem:$0x3FB0]  }
0x2e: {  	s3 =	simm.s32 @!p0 $0x1082;
	s9 =	sld [smem:$0x3FB1]  }
0x2f: {  	lr =	sadd.s32 s0, s3;
	s0 =	sld [smem:$0x3FA8]  }
0x30: {  	s3 =	sld [smem:$0x3FAB]  }
0x31: {  	[smem:$0x3FB4] =	sst s10  }
0x32: {  	s10 =	sld [smem:$0x3FB2];
	_ =	sdelay $0x3  }
0x33: {  	p0 =	seq.s32 s10, $0x1;
	s10 =	sld [smem:$0x3FB4];
	_ =	sdelay $0x3  }
0x34: {  	[smem:$0x3FB4] =	sst s10  }
0x35: {  	s10 =	sld [smem:$0x3FB3];
	_ =	sdelay $0x3  }
0x36: {  	p1 =	seq.s32 s10, $0x1;
	s10 =	sld [smem:$0x3FB4];
	_ =	sdelay $0x3  }
0x37: {  	[smem:$0x3FB4] =	sst s10  }
0x38: {  	s10 =	sld [smem:$0x3FB5]  }
0x39: {  	_ = 	snop;
	(pc) =	sbr.ind lr, $3  }
0x3a: {  	_ = 	snop  }
0x3b: {  	_ = 	snop  }
0x3c: {  	p2 =	seq.s32 s10, $0x1;
	s10 =	sld [smem:$0x3FB4]  }
0x3d: {  	_ =	shalt  }
0x3e: {  	_ =	shalt  }
0x3f: {  	_ =	shalt  }
0x40: {  	_ =	shalt  }
0x41: {  	_ =	shalt  }
0x42: {  	_ =	shalt  }
0x43: {  	_ =	shalt  }
0x44: {  	_ =	shalt  }
0x45: {  	_ =	shalt  }
0x46: {  	_ =	shalt  }
0x47: {  	_ =	shalt  }
0x48: {  	_ =	shalt  }
0x49: {  	_ =	shalt  }
0x4a: {  	_ =	shalt  }
0x4b: {  	_ =	shalt  }
0x4c: {  	_ =	shalt  }
0x4d: {  	_ =	shalt  }
0x4e: {  	_ =	shalt  }
0x4f: {  	_ =	shalt  }
0x50: {  	_ =	shalt  }
0x51: {  	_ =	shalt  }
0x52: {  	_ =	shalt  }
0x53: {  	_ =	shalt  }
0x54: {  	_ =	shalt  }
0x55: {  	_ =	shalt  }
0x56: {  	_ =	shalt  }
0x57: {  	_ =	shalt  }
0x58: {  	_ =	shalt  }
0x59: {  	_ =	shalt  }
0x5a: {  	_ =	shalt  }
0x5b: {  	_ =	shalt  }
0x5c: {  	_ =	shalt  }
0x5d: {  	_ =	shalt  }
0x5e: {  	_ =	shalt  }
0x5f: {  	_ =	shalt  }
0x60: {  	_ =	shalt  }
0x61: {  	_ =	shalt  }
0x62: {  	_ =	shalt  }
0x63: {  	_ =	shalt  }
0x64: {  	_ =	shalt  }
0x65: {  	_ =	shalt  }
0x66: {  	_ =	shalt  }
0x67: {  	_ =	shalt  }
0x68: {  	_ =	shalt  }
0x69: {  	_ =	shalt  }
0x6a: {  	_ =	shalt  }
0x6b: {  	_ =	shalt  }
0x6c: {  	_ =	shalt  }
0x6d: {  	_ =	shalt  }
0x6e: {  	_ =	shalt  }
0x6f: {  	_ =	shalt  }
0x70: {  	_ =	shalt  }
0x71: {  	_ =	shalt  }
0x72: {  	_ =	shalt  }
0x73: {  	_ =	shalt  }
0x74: {  	_ =	shalt  }
0x75: {  	_ =	shalt  }
0x76: {  	_ =	shalt  }
0x77: {  	_ =	shalt  }
0x78: {  	_ =	shalt  }
0x79: {  	_ =	shalt  }
0x7a: {  	_ =	shalt  }
0x7b: {  	_ =	shalt  }
0x7c: {  	_ =	shalt  }
0x7d: {  	_ =	shalt  }
0x7e: {  	_ =	shalt  }
0x7f: {  	_ =	shalt  }
0x80: {  	_ =	shalt  }
0x81: {  	_ =	shalt  }
0x82: {  	_ =	shalt  }
0x83: {  	_ =	shalt  }
0x84: {  	_ =	shalt  }
0x85: {  	_ =	shalt  }
0x86: {  	_ =	shalt  }
0x87: {  	_ =	shalt  }
.Lfunc_end0:
.L_simem_size_0:
called_computation_lowered:
.L_overlay_start_0:
0x88: {  	s2 =	sld [smem:$0x3FD9]  }
0x89: {  	s3 =	sld [smem:$0x3FFE];
	_ =	sdelay $0x1  }
0x8a: {  	s1 =	srdreg.scid  }
0x8b: {  	s0 =	sand.u32 $0x1, s1  }
0x8c: {  	s16 =	sshll.u32 s0, $0xA;
	s2 =	sadd.s32 s3, s2  }
0x8d: {  	s2 =	sadd.s32 s2, s16  }
0x8e: {  	[smem:$0x3FC0] =	sst s2  }
0x8f: {  	_ = 	snop  }
0x90: {  	(tm) =	ssettm $0x1  }
0x91: {  	s17 =	sld [smem:$0x3FFB];
	_ =	sdelay $0x3  }
0x92: {  	_ =	strace s17  }
0x93: {  	s2 =	sld [smem:$0x3FFC];
	_ =	sdelay $0x3  }
0x94: {  	_ =	strace s2  }
0x95: {  	s2 =	sld [smem:$0x3FFD];
	_ =	sdelay $0x3  }
0x96: {  	_ =	strace s2  }
0x97: {  	_ =	strace $0x8FFFFFFF  }
0x98: {  	s18 =	sld [smem:$0x3FDB];
	_ =	sdelay $0x1  }
0x99: {  	s19 =	simm.s32 $_scs_section_size  }
0x9a: {  	s4 =	simm.s32 $_size__tile_overlayer_lowered;
	s5 =	simm.s32 $_tile_overlayer_lowered  }
0x9b: {  	s22 =	simm.s32 $0x1BFF;
	s21 =	sshll.u32 s5, $0x1;
	s2 =	sadd.s32 s19, s18  }
0x9c: {  	s6 =	simm.s32 $0x0;
	s20 =	sshll.u32 s4, $0x1;
	s4 =	sadd.s32 s21, s2  }
0x9d: {  	[timem:s6], [sflag:s22] =	dma.local [hbm:s4], s20  }
0x9e: {  	_ =	swait.ge [sflag:s22], s20  }
0x9f: {  	s3 =	ssub.s32 $0x0, s20;
	[sflag:s22] =	ssyncset.done $0x0  }
0xa0: {  	[sflag:s22] =	ssyncadd.s32 s3;
	_ =	sdelay $0x1  }
0xa1: {  	s23 =	simm.s32 $0x1B8B  }
0xa2: {  	_ =	swait.ge [sflag:s23], $0x1  }
0xa3: {  	[sflag:s23] =	ssyncset.done $0x0  }
0xa4: {  	s25 =	simm.s32 $0x1B8E;
	s24 =	sld [smem:$0x3FFE];
	[sflag:s23] =	ssyncadd.s32 $0xFFFFFFFF  }
0xa5: {  	s26 =	simm.s32 $execute0_lowered;
	[smem:$0x3FD2] =	sst s25  }
0xa6: {  	s4 =	sshll.u32 s26, $0x1;
	_ =	strace $0x80000046;
	[dreg:$0x1] =	wrdreg $0xFFFFFFFF  }
0xa7: {  	s28 =	simm.s32 $_size_execute0_lowered;
	s2 =	sadd.s32 s2, s4;
	[dreg:$0x0] =	wrdreg $0x0  }
0xa8: {  	s4 =	sshll.u32 s28, $0x1;
	[dreg:$0x2] =	wrdreg s2  }
0xa9: {  	[dreg:$0x3] =	wrdreg s4  }
0xaa: {  	[dreg:$0x4] =	wrdreg $0xC0  }
0xab: {  	_ =	task [dreg:s6], $0x5FFFF  }
0xac: {  	[dreg:$0x1] =	wrdreg $0xFFFFFFFF  }
0xad: {  	[dreg:$0x0] =	wrdreg $0x60  }
0xae: {  	[dreg:$0x2] =	wrdreg s24  }
0xaf: {  	[dreg:$0x3] =	wrdreg $0xB8000  }
0xb0: {  	[dreg:$0x4] =	wrdreg $0x9  }
0xb1: {  	_ =	task.clear_ibuf [dreg:s6], $0x5FFFF;
	_ =	strace $0x90000046  }
0xb2: {  	s29 =	simm.s32 $0x9;
	_ =	strace $0x80000048  }
0xb3: {  	_ =	swait.ge [sflag:s29], $0x1  }
0xb4: {  	[sflag:s29] =	ssyncadd.s32 $0xFFFFFFFF  }
0xb5: {  	_ =	strace $0x90000048  }
0xb6: {  	_ =	sfence  }
0xb7: {  	s30 =	sld [smem:$0x0];
	_ =	sdelay $0x2  }
0xb8: {  	s31 =	sshll.u32 s1, $0xD;
	s1 =	sshrl.u32 s1, $0x2  }
0xb9: {  	s3 =	sand.u32 $0x4000, s31;
	s1 =	sadd.s32 s1, s30  }
0xba: {  	s0 =	sor.u32 s3, s0;
	s1 =	sshll.u32 s1, $0x11  }
0xbb: {  	s0 =	sor.u32 s1, s0  }
0xbc: {  	s0 =	sadd.s32 $0x8F2B, s0  }
0xbd: {  	[sflag:s0] =	ssyncadd.remote.s32 $0x1  }
0xbe: {  	_ =	sfence.sel $0xFFFF  }
0xbf: {  	[dreg:$0x0] =	wrdreg $0xFFFFFFFF;
	(pc) =	sbr.abs _section_cstart, $3  }
0xc0: {  	[dreg:$0x1] =	wrdreg $0xFFFFFFFF  }
0xc1: {  	_ =	task.clear_ibuf [dreg:s6], $0x2FFFF;
	_ =	strace $0x9FFFFFFF  }
0xc2: {  	(tm) =	ssettm $0x7FFFFFFF  }
0xc3: {  	_ =	shalt  }
tec
execute0_lowered:
.L_overlay_start_1:
0x0: {  	(tag) =	ssettag $0x1  }
0x1: {  	s0 =	rddreg [dreg:$0x0]  }
0x2: {  	s2 =	rddreg [dreg:$0x1]  }
0x3: {  	s1 =	srdreg.scid;
	s8 =	stileid.u32;
	s4 =	simm.s32 $0x0  }
0x4: {  	s15 =	simm.s32 $0x9;
	s9 =	simm.s32 $0x2800;
	s17 =	simm.s32 $0xB000  }
0x5: {  	s18 =	simm.s32 $0x80;
	s30 =	simm.s32 $0x6800;
	s19 =	simm.s32 $0x1  }
0x6: {  	s20 =	simm.s32 $0x9000;
	s21 =	simm.s32 $0x2;
	s22 =	simm.s32 $0x9800  }
0x7: {  	s1 =	sand.u32 $0x1, s1;
	s3 =	smul.u32 $0x2800, s8;
	[smem:$0x7FF] =	sst s4  }
0x8: {  	s4 =	sadd.s32 $0x15400, s0;
	s5 =	sshll.u32 s1, $0x4;
	s6 =	smul.u32 $0x28000, s1  }
0x9: {  	_ =	strace $0x80000047;
	s1 =	ssub.s32 $0x2, s1;
	s7 =	sor.u32 s8, s5  }
0xa: {  	s5 =	sadd.s32 $0x1A400, s0;
	s23 =	sshrl.u32 s1, $0x1;
	s7 =	smul.u32 $0x500, s7  }
0xb: {  	s8 =	smul.u32 $0xA000, s8;
	s6 =	sadd.s32 s3, s6;
	s1 =	ssub.s32 s1, s23  }
0xc: {  	s6 =	sshrl.u32 s6, $0x3;
	s31 =	smax.u32 s1, $0x1;
	s7 =	sadd.s32 s7, s0  }
0xd: {  	s25 =	sshrl.u32 s8, $0x2;
	[dreg:$0xa] =	wrdreg s31;
	s24 =	sadd.s32 $0xB400, s7  }
0xe: {  	s26 =	sadd.s32 s25, s2;
	s7 =	sadd.s32 $0x1400, s7;
	[dreg:$0x3] =	wrdreg s24  }
0xf: {  	s0 =	sadd.s32 s6, s0;
	s6 =	sadd.s32 $0x800, s26;
	[dreg:$0x4] =	wrdreg s7  }
0x10: {  	s23 =	simm.s32 $0x3;
	s28 =	sadd.s32 $0x1000, s26;
	[dreg:$0x5] =	wrdreg s6  }
.Ltmp0:
0x11: {  	s29 =	sadd.s32 $0x1800, s26;
	[dreg:$0x6] =	wrdreg s28;
	(pc) =	sbr.rel .LBB2_1-.Ltmp0, $4  }
0x12: {  	s8 =	sadd.s32 s3, s2;
	s3 =	sadd.s32 $0x2000, s26;
	[dreg:$0x7] =	wrdreg s29  }
0x13: {  	s1 =	simm.s32 $0x8;
	s0 =	sadd.s32 $0x1F400, s0;
	[dreg:$0x8] =	wrdreg s3  }
0x14: {  	s25 =	simm.s32 $0x4;
	s26 =	simm.s32 $0xA800;
	[dreg:$0x9] =	wrdreg s0  }
0x15: {  	v0 =	vimm.f32 $0.0e+00;
	s0 =	simm.s32 $0x8800;
	s24 =	simm.s32 $0xA000;
	s3 =	simm.s32 $0x0  }
.LBB2_14:
0x16: {  	[spmem:s2] =	stream.indirect.scatter.add.f32 [tilespmem:s26], [sflag:$0x8], $0x10, s7, s18, $0xb8;
	[tilespmem:$0xE000] =	vst v63  }
0x17: {  	s6 =	simm.s32 $0x5  }
0x18: {  	_ =	swait.ge [sflag:s6], $0x800  }
0x19: {  	[sflag:s6] =	ssyncset.done $0x0  }
0x1a: {  	s14 =	simm.s32 $0x6;
	[sflag:s6] =	ssyncadd.s32 $0xFFFFF800  }
0x1b: {  	_ =	swait.ge [sflag:s14], $0x800  }
0x1c: {  	[sflag:s14] =	ssyncset.done $0x0  }
0x1d: {  	s16 =	simm.s32 $0x7;
	[sflag:s14] =	ssyncadd.s32 $0xFFFFF800  }
0x1e: {  	_ =	swait.ge [sflag:s16], $0x800  }
0x1f: {  	[sflag:s16] =	ssyncset.done $0x0  }
0x20: {  	[sflag:s16] =	ssyncadd.s32 $0xFFFFF800  }
0x21: {  	_ =	swait.ge [sflag:s1], $0x800  }
0x22: {  	[sflag:s1] =	ssyncset.done $0x0  }
0x23: {  	s28 =	stileid.u32;
	[sflag:s1] =	ssyncadd.s32 $0xFFFFF800  }
0x24: {  	s6 =	sshll.u32 s28, $0x6;
	[bflag:$0x0] =	sbarrier.arrive $0xFFFF  }
0x25: {  	s29 =	sshrl.u32 s8, $0x3;
	s6 =	sor.u32 $0x1C09, s6;
	s9 =	rddreg [dreg:$0x9]  }
0x26: {  	[hbm:s9], [sflag:s6] =	dma.local [spmem:s29], $0x500  }
0x27: {  	_ =	swait.ge [sflag:s15], $0x500  }
0x28: {  	s3 =	sadd.s32 $0x1, s3;
	s31 =	rddreg [dreg:$0xa]  }
0x29: {  	p0 =	sne.s32 s3, s31  }
.Ltmp1:
0x2a: {  	_ = 	snop;
	(pc) =	sbr.rel @!p0 .LBB2_15-.Ltmp1, $3  }
0x2b: {  	_ =	sdelay $0x1  }
0x2c: {  	[sflag:s15] =	ssyncset.done $0x0  }
0x2d: {  	s9 =	simm.s32 $0x2800;
	[sflag:s15] =	ssyncadd.s32 $0xFFFFFB00  }
.LBB2_1:
0x2e: {  	s6 =	simm.s32 $0x0;
	s7 =	rddreg [dreg:$0x3]  }
0x2f: {  	[tilespmem:s6], [sflag:$0x9] =	stream.linear.gather [hbm4b:s7+s6], $0x2800, $0x38;
	[tilespmem:$0xE000] =	vst v63  }
0x30: {  	_ =	swait.ge [sflag:s15], $0x2800  }
0x31: {  	[sflag:s15] =	ssyncset.done $0x0  }
0x32: {  	s31 =	rddreg [dreg:$0x4];
	[sflag:s15] =	ssyncadd.s32 $0xFFFFD800  }
0x33: {  	[tilespmem:s9], [sflag:$0x9] =	stream.linear.gather [hbm4b:s31+s6], $0x2800, $0x38;
	[tilespmem:$0xE000] =	vst v63  }
0x34: {  	_ =	swait.ge [sflag:s15], $0x2800  }
0x35: {  	[sflag:s15] =	ssyncset.done $0x0  }
0x36: {  	s7 =	simm.s32 $0x0;
	s6 =	simm.s32 $0x40;
	[sflag:s15] =	ssyncadd.s32 $0xFFFFD800  }
.LBB2_2:
0x37: {  	p0 =	sne.s32 s6, $0x1FC0;
	[tilespmem:s7+$0xB000] =	vst v0;
	s7 =	smov.u32 s6;
	s6 =	sadd.s32 $0x40, s6  }
.Ltmp2:
0x38: {  	(pc) =	sbr.rel @p0 .LBB2_2-.Ltmp2, $2  }
0x39: {  	_ =	sdelay $0x2  }
0x3a: {  	s7 =	sshra.s32 s7, $0x2  }
0x3b: {  	[tilespmem:s7+$0xB000] =	vst v0  }
0x3c: {  	[spmem:s8] =	stream.linear.scatter [tilespmem:s17], [sflag:$0x9], $0x800, $0x38;
	[tilespmem:$0xE000] =	vst v63  }
0x3d: {  	_ =	swait.ge [sflag:s15], $0x800  }
0x3e: {  	[sflag:s15] =	ssyncset.done $0x0  }
0x3f: {  	s6 =	rddreg [dreg:$0x5];
	[sflag:s15] =	ssyncadd.s32 $0xFFFFF800  }
0x40: {  	[spmem:s6] =	stream.linear.scatter [tilespmem:s17], [sflag:$0x9], $0x800, $0x38;
	[tilespmem:$0xE000] =	vst v63  }
0x41: {  	_ =	swait.ge [sflag:s15], $0x800  }
0x42: {  	[sflag:s15] =	ssyncset.done $0x0  }
0x43: {  	s16 =	rddreg [dreg:$0x6];
	[sflag:s15] =	ssyncadd.s32 $0xFFFFF800  }
0x44: {  	[spmem:s16] =	stream.linear.scatter [tilespmem:s17], [sflag:$0x9], $0x800, $0x38;
	[tilespmem:$0xE000] =	vst v63  }
0x45: {  	_ =	swait.ge [sflag:s15], $0x800  }
0x46: {  	[sflag:s15] =	ssyncset.done $0x0  }
0x47: {  	s28 =	rddreg [dreg:$0x7];
	[sflag:s15] =	ssyncadd.s32 $0xFFFFF800  }
0x48: {  	[spmem:s28] =	stream.linear.scatter [tilespmem:s17], [sflag:$0x9], $0x800, $0x38;
	[tilespmem:$0xE000] =	vst v63  }
0x49: {  	_ =	swait.ge [sflag:s15], $0x800  }
0x4a: {  	[sflag:s15] =	ssyncset.done $0x0  }
0x4b: {  	s29 =	rddreg [dreg:$0x8];
	[sflag:s15] =	ssyncadd.s32 $0xFFFFF800  }
0x4c: {  	[spmem:s29] =	stream.linear.scatter [tilespmem:s17], [sflag:$0x9], $0x800, $0x38;
	[tilespmem:$0xE000] =	vst v63  }
0x4d: {  	_ =	swait.ge [sflag:s15], $0x800  }
0x4e: {  	[sflag:s15] =	ssyncset.done $0x0  }
0x4f: {  	[sflag:s15] =	ssyncadd.s32 $0xFFFFF800  }
0x50: {  	s31 =	simm.s32 $0x5000;
	s16 =	simm.s32 $0x0;
	[bflag:$0x0] =	sbarrier.arrive $0xFFFF  }
0x51: {  	[tilespmem:s31], [sflag:$0x1] =	stream.indirect.gather [hbm4b:s4+s18], $0x10, s16, s18, $0xb8;
	[tilespmem:$0xE000] =	vst v63  }
0x52: {  	s7 =	simm.s32 $0x7000  }
0x53: {  	[tilespmem:s7], [sflag:$0x1] =	stream.indirect.gather [hbm4b:s5+s18], $0x10, s9, s18, $0xb8;
	[tilespmem:$0xE000] =	vst v63  }
0x54: {  	s9 =	simm.s32 $0x5800  }
0x55: {  	[tilespmem:s9], [sflag:$0x2] =	stream.indirect.gather [hbm4b:s4+s18], $0x10, s18, s18, $0xb8;
	[tilespmem:$0xE000] =	vst v63  }
0x56: {  	s10 =	simm.s32 $0x2880;
	s11 =	simm.s32 $0x7800  }
0x57: {  	[tilespmem:s11], [sflag:$0x2] =	stream.indirect.gather [hbm4b:s5+s18], $0x10, s10, s18, $0xb8;
	[tilespmem:$0xE000] =	vst v63  }
0x58: {  	s12 =	simm.s32 $0x100;
	s13 =	simm.s32 $0x6000  }
0x59: {  	[tilespmem:s13], [sflag:$0x3] =	stream.indirect.gather [hbm4b:s4+s18], $0x10, s12, s18, $0xb8;
	[tilespmem:$0xE000] =	vst v63  }
0x5a: {  	s14 =	simm.s32 $0x2900;
	s28 =	simm.s32 $0x8000  }
0x5b: {  	[tilespmem:s28], [sflag:$0x3] =	stream.indirect.gather [hbm4b:s5+s18], $0x10, s14, s18, $0xb8;
	[tilespmem:$0xE000] =	vst v63  }
0x5c: {  	s29 =	simm.s32 $0x180  }
0x5d: {  	[tilespmem:s30], [sflag:$0x4] =	stream.indirect.gather [hbm4b:s4+s18], $0x10, s29, s18, $0xb8;
	[tilespmem:$0xE000] =	vst v63  }
0x5e: {  	s31 =	simm.s32 $0x2980  }
0x5f: {  	[tilespmem:s0], [sflag:$0x4] =	stream.indirect.gather [hbm4b:s5+s18], $0x10, s31, s18, $0xb8;
	[tilespmem:$0xE000] =	vst v63  }
.LBB2_4:
0x60: {  	_ =	swait.ge [sflag:s19], $0x800  }
0x61: {  	[sflag:s19] =	ssyncset.done $0x0  }
0x62: {  	[sflag:s19] =	ssyncadd.s32 $0xFFFFF800  }
0x63: {  	_ =	swait.ge [sflag:s19], $0x800  }
0x64: {  	p0 =	seq.s32 s16, $0x0;
	[sflag:s19] =	ssyncset.done $0x0  }
0x65: {  	s6 =	simm.s32 @!p0 $0x5;
	[sflag:s19] =	ssyncadd.s32 $0xFFFFF800  }
0x66: {  	_ =	swait.ge @!p0 [sflag:s6], $0x800  }
0x67: {  	[sflag:s6] =	ssyncset.done @!p0 $0x0  }
0x68: {  	[sflag:s6] =	ssyncadd.s32 @!p0 $0xFFFFF800  }
0x69: {  	v1 =	vld [tilespmem:$0x5000]  }
0x6a: {  	v2 =	vld [tilespmem:$0x7000]  }
0x6b: {  	s7 =	simm.s32 $0x7040  }
0x6c: {  	s11 =	simm.s32 $0x5040;
	v3 =	vld [tilespmem:s7+$0xFFFFFFD0]  }
0x6d: {  	v4 =	vld [tilespmem:s11+$0xFFFFFFD0];
	_ =	sdelay $0x1  }
0x6e: {  	v1 =	vadd.f32 v2, v1;
	_ =	sdelay $0x1  }
0x6f: {  	v2 =	vmul.f32 $9.999999770e-03, v1  }
0x70: {  	v3 =	vadd.f32 v3, v4  }
0x71: {  	s6 =	simm.s32 $0x9040;
	v1 =	vmax.f32 v1, v2  }
0x72: {  	[tilespmem:s6+$0xFFFFFFC0] =	vst v1;
	v1 =	vmul.f32 $9.999999770e-03, v3  }
0x73: {  	v2 =	vld [tilespmem:s11+$0xFFFFFFE0]  }
0x74: {  	v4 =	vld [tilespmem:s7+$0xFFFFFFE0];
	v1 =	vmax.f32 v3, v1  }
0x75: {  	[tilespmem:s6+$0xFFFFFFD0] =	vst v1  }
0x76: {  	v1 =	vld [tilespmem:s7+$0xFFFFFFF0]  }
0x77: {  	v3 =	vld [tilespmem:s11+$0xFFFFFFF0];
	_ =	sdelay $0x1  }
0x78: {  	v2 =	vadd.f32 v4, v2;
	_ =	sdelay $0x1  }
0x79: {  	v4 =	vmul.f32 $9.999999770e-03, v2  }
0x7a: {  	v1 =	vadd.f32 v1, v3  }
0x7b: {  	v2 =	vmax.f32 v2, v4  }
0x7c: {  	[tilespmem:s6+$0xFFFFFFE0] =	vst v2;
	v2 =	vmul.f32 $9.999999770e-03, v1  }
0x7d: {  	v3 =	vld [tilespmem:s11+$0x0]  }
0x7e: {  	v4 =	vld [tilespmem:s7+$0x0];
	v1 =	vmax.f32 v1, v2  }
0x7f: {  	[tilespmem:s6+$0xFFFFFFF0] =	vst v1  }
0x80: {  	v1 =	vld [tilespmem:s7+$0x10]  }
0x81: {  	v2 =	vld [tilespmem:s11+$0x10];
	_ =	sdelay $0x1  }
0x82: {  	v3 =	vadd.f32 v4, v3;
	_ =	sdelay $0x1  }
0x83: {  	v4 =	vmul.f32 $9.999999770e-03, v3  }
0x84: {  	v5 =	vadd.f32 v1, v2  }
0x85: {  	v1 =	vmax.f32 v3, v4  }
0x86: {  	[tilespmem:s6+$0x0] =	vst v1;
	v3 =	vmul.f32 $9.999999770e-03, v5  }
0x87: {  	v1 =	vld [tilespmem:s11+$0x20]  }
0x88: {  	v2 =	vld [tilespmem:s7+$0x20];
	v3 =	vmax.f32 v5, v3  }
0x89: {  	[tilespmem:s6+$0x10] =	vst v3  }
0x8a: {  	v3 =	vld [tilespmem:s11+$0x30]  }
0x8b: {  	s9 =	simm.s32 $0x80;
	s10 =	simm.s32 $0x0;
	s12 =	simm.s32 $0x70C0;
	v4 =	vld [tilespmem:s7+$0x30]  }
0x8c: {  	s13 =	simm.s32 $0x80;
	s11 =	simm.s32 $0x50C0;
	s7 =	simm.s32 $0x9040  }
.LBB2_5:
0x8d: {  	s10 =	sadd.s32 $0x8, s10;
	v1 =	vadd.f32 v2, v1;
	s9 =	sadd.s32 $0x80, s9;
	s6 =	sadd.s32 $0x80, s6  }
0x8e: {  	p1 =	slt.u32 s10, $0x78  }
0x8f: {  	v2 =	vmul.f32 $9.999999770e-03, v1  }
0x90: {  	v3 =	vadd.f32 v4, v3  }
0x91: {  	v1 =	vmax.f32 v1, v2  }
0x92: {  	s14 =	sand.u32 $0x780, s13;
	s13 =	smov.u32 s9;
	[tilespmem:s7+$0x20] =	vst v1;
	v1 =	vmul.f32 $9.999999770e-03, v3  }
0x93: {  	v2 =	vld [tilespmem:s14+$0x5000]  }
0x94: {  	v4 =	vld [tilespmem:s14+$0x7000];
	v1 =	vmax.f32 v3, v1  }
0x95: {  	[tilespmem:s7+$0x30] =	vst v1;
	s7 =	smov.u32 s6  }
0x96: {  	v1 =	vld [tilespmem:s12+$0xFFFFFFD0]  }
0x97: {  	v3 =	vld [tilespmem:s11+$0xFFFFFFD0];
	_ =	sdelay $0x1  }
0x98: {  	v2 =	vadd.f32 v4, v2;
	_ =	sdelay $0x1  }
0x99: {  	v4 =	vmul.f32 $9.999999770e-03, v2  }
0x9a: {  	v1 =	vadd.f32 v1, v3  }
0x9b: {  	v2 =	vmax.f32 v2, v4  }
0x9c: {  	[tilespmem:s6+$0xFFFFFFC0] =	vst v2;
	v2 =	vmul.f32 $9.999999770e-03, v1  }
0x9d: {  	v3 =	vld [tilespmem:s11+$0xFFFFFFE0]  }
0x9e: {  	v4 =	vld [tilespmem:s12+$0xFFFFFFE0];
	v1 =	vmax.f32 v1, v2  }
0x9f: {  	[tilespmem:s6+$0xFFFFFFD0] =	vst v1  }
0xa0: {  	v1 =	vld [tilespmem:s12+$0xFFFFFFF0]  }
0xa1: {  	v2 =	vld [tilespmem:s11+$0xFFFFFFF0];
	_ =	sdelay $0x1  }
0xa2: {  	v3 =	vadd.f32 v4, v3;
	_ =	sdelay $0x1  }
0xa3: {  	v4 =	vmul.f32 $9.999999770e-03, v3  }
0xa4: {  	v1 =	vadd.f32 v1, v2  }
0xa5: {  	v2 =	vmax.f32 v3, v4  }
0xa6: {  	[tilespmem:s6+$0xFFFFFFE0] =	vst v2;
	v2 =	vmul.f32 $9.999999770e-03, v1  }
0xa7: {  	v3 =	vld [tilespmem:s11+$0x0]  }
0xa8: {  	v4 =	vld [tilespmem:s12+$0x0];
	v1 =	vmax.f32 v1, v2  }
0xa9: {  	[tilespmem:s6+$0xFFFFFFF0] =	vst v1  }
0xaa: {  	v1 =	vld [tilespmem:s12+$0x10]  }
0xab: {  	v2 =	vld [tilespmem:s11+$0x10];
	_ =	sdelay $0x1  }
0xac: {  	v3 =	vadd.f32 v4, v3;
	_ =	sdelay $0x1  }
0xad: {  	v4 =	vmul.f32 $9.999999770e-03, v3  }
0xae: {  	v5 =	vadd.f32 v1, v2  }
0xaf: {  	v1 =	vmax.f32 v3, v4  }
0xb0: {  	[tilespmem:s6+$0x0] =	vst v1;
	v3 =	vmul.f32 $9.999999770e-03, v5  }
0xb1: {  	v1 =	vld [tilespmem:s11+$0x20]  }
.Ltmp3:
0xb2: {  	v2 =	vld [tilespmem:s12+$0x20];
	v3 =	vmax.f32 v5, v3;
	(pc) =	sbr.rel @p1 .LBB2_5-.Ltmp3, $4  }
0xb3: {  	[tilespmem:s6+$0x10] =	vst v3  }
0xb4: {  	v3 =	vld [tilespmem:s11+$0x30]  }
0xb5: {  	v4 =	vld [tilespmem:s12+$0x30]  }
0xb6: {  	s11 =	sadd.s32 $0x80, s11;
	s12 =	sadd.s32 $0x80, s12  }
0xb7: {  	_ =	sdelay $0x1  }
0xb8: {  	v1 =	vadd.f32 v2, v1  }
0xb9: {  	v2 =	vadd.f32 v4, v3  }
0xba: {  	v3 =	vmul.f32 $9.999999770e-03, v1  }
0xbb: {  	v4 =	vmul.f32 $9.999999770e-03, v2  }
0xbc: {  	p1 =	seq.s32 s16, $0x13;
	v1 =	vmax.f32 v1, v3  }
0xbd: {  	s9 =	sshll.u32 @!p1 s16, $0x9;
	[tilespmem:s7+$0x20] =	vst v1;
	v1 =	vmax.f32 v2, v4  }
0xbe: {  	s10 =	simm.s32 @!p1 $0x5000;
	s6 =	sadd.s32 @!p1 $0x200, s9;
	[tilespmem:s7+$0x30] =	vst v1;
	s7 =	simm.s32 @!p1 $0x80  }
0xbf: {  	[tilespmem:s10], [sflag:$0x1] =	stream.indirect.gather @!p1 [hbm4b:s4+s7], $0x10, s6, s7, $0xb8;
	[tilespmem:$0xE000] =	vst v63  }
0xc0: {  	s6 =	sadd.s32 @!p1 $0x2A00, s9;
	s10 =	simm.s32 @!p1 $0x7000  }
0xc1: {  	[tilespmem:s10], [sflag:$0x1] =	stream.indirect.gather @!p1 [hbm4b:s5+s7], $0x10, s6, s7, $0xb8;
	[tilespmem:$0xE000] =	vst v63  }
0xc2: {  	s6 =	sshll.u32 s16, $0x9  }
0xc3: {  	s7 =	sand.u32 $0x3FFFFE00, s6  }
0xc4: {  	[spmem:s2] =	stream.indirect.scatter.add.f32 [tilespmem:s20], [sflag:$0x5], $0x10, s7, s18, $0xb8;
	[tilespmem:$0xE000] =	vst v63  }
0xc5: {  	_ =	swait.ge [sflag:s21], $0x800  }
0xc6: {  	[sflag:s21] =	ssyncset.done $0x0  }
0xc7: {  	[sflag:s21] =	ssyncadd.s32 $0xFFFFF800  }
0xc8: {  	_ =	swait.ge [sflag:s21], $0x800  }
0xc9: {  	[sflag:s21] =	ssyncset.done $0x0  }
0xca: {  	s10 =	simm.s32 @!p0 $0x6;
	[sflag:s21] =	ssyncadd.s32 $0xFFFFF800  }
0xcb: {  	_ =	swait.ge @!p0 [sflag:s10], $0x800  }
0xcc: {  	[sflag:s10] =	ssyncset.done @!p0 $0x0  }
0xcd: {  	[sflag:s10] =	ssyncadd.s32 @!p0 $0xFFFFF800  }
0xce: {  	v1 =	vld [tilespmem:$0x5800]  }
0xcf: {  	v2 =	vld [tilespmem:$0x7800]  }
0xd0: {  	s11 =	simm.s32 $0x7840  }
0xd1: {  	s14 =	simm.s32 $0x5840;
	v3 =	vld [tilespmem:s11+$0xFFFFFFD0]  }
0xd2: {  	v4 =	vld [tilespmem:s14+$0xFFFFFFD0];
	_ =	sdelay $0x1  }
0xd3: {  	v1 =	vadd.f32 v2, v1;
	_ =	sdelay $0x1  }
0xd4: {  	v2 =	vmul.f32 $9.999999770e-03, v1  }
0xd5: {  	v3 =	vadd.f32 v3, v4  }
0xd6: {  	s10 =	simm.s32 $0x9840;
	v1 =	vmax.f32 v1, v2  }
0xd7: {  	[tilespmem:s10+$0xFFFFFFC0] =	vst v1;
	v1 =	vmul.f32 $9.999999770e-03, v3  }
0xd8: {  	v2 =	vld [tilespmem:s14+$0xFFFFFFE0]  }
0xd9: {  	v4 =	vld [tilespmem:s11+$0xFFFFFFE0];
	v1 =	vmax.f32 v3, v1  }
0xda: {  	[tilespmem:s10+$0xFFFFFFD0] =	vst v1  }
0xdb: {  	v1 =	vld [tilespmem:s11+$0xFFFFFFF0]  }
0xdc: {  	v3 =	vld [tilespmem:s14+$0xFFFFFFF0];
	_ =	sdelay $0x1  }
0xdd: {  	v2 =	vadd.f32 v4, v2;
	_ =	sdelay $0x1  }
0xde: {  	v4 =	vmul.f32 $9.999999770e-03, v2  }
0xdf: {  	v1 =	vadd.f32 v1, v3  }
0xe0: {  	v2 =	vmax.f32 v2, v4  }
0xe1: {  	[tilespmem:s10+$0xFFFFFFE0] =	vst v2;
	v2 =	vmul.f32 $9.999999770e-03, v1  }
0xe2: {  	v3 =	vld [tilespmem:s14+$0x0]  }
0xe3: {  	v4 =	vld [tilespmem:s11+$0x0];
	v1 =	vmax.f32 v1, v2  }
0xe4: {  	[tilespmem:s10+$0xFFFFFFF0] =	vst v1  }
0xe5: {  	v1 =	vld [tilespmem:s11+$0x10]  }
0xe6: {  	v2 =	vld [tilespmem:s14+$0x10];
	_ =	sdelay $0x1  }
0xe7: {  	v3 =	vadd.f32 v4, v3;
	_ =	sdelay $0x1  }
0xe8: {  	v4 =	vmul.f32 $9.999999770e-03, v3  }
0xe9: {  	v5 =	vadd.f32 v1, v2  }
0xea: {  	v1 =	vmax.f32 v3, v4  }
0xeb: {  	[tilespmem:s10+$0x0] =	vst v1;
	v3 =	vmul.f32 $9.999999770e-03, v5  }
0xec: {  	v1 =	vld [tilespmem:s14+$0x20]  }
0xed: {  	v2 =	vld [tilespmem:s11+$0x20];
	v3 =	vmax.f32 v5, v3  }
0xee: {  	[tilespmem:s10+$0x10] =	vst v3  }
0xef: {  	v3 =	vld [tilespmem:s14+$0x30]  }
0xf0: {  	s12 =	simm.s32 $0x80;
	s13 =	simm.s32 $0x0;
	s28 =	simm.s32 $0x78C0;
	v4 =	vld [tilespmem:s11+$0x30]  }
0xf1: {  	s29 =	simm.s32 $0x80;
	s14 =	simm.s32 $0x58C0;
	s11 =	simm.s32 $0x9840  }
.LBB2_7:
0xf2: {  	s13 =	sadd.s32 $0x8, s13;
	v1 =	vadd.f32 v2, v1;
	s12 =	sadd.s32 $0x80, s12;
	s10 =	sadd.s32 $0x80, s10  }
0xf3: {  	p2 =	slt.u32 s13, $0x78  }
0xf4: {  	v2 =	vmul.f32 $9.999999770e-03, v1  }
0xf5: {  	v3 =	vadd.f32 v4, v3  }
0xf6: {  	v1 =	vmax.f32 v1, v2  }
0xf7: {  	s31 =	sand.u32 $0x780, s29;
	s29 =	smov.u32 s12;
	[tilespmem:s11+$0x20] =	vst v1;
	v1 =	vmul.f32 $9.999999770e-03, v3  }
0xf8: {  	v2 =	vld [tilespmem:s31+$0x5800]  }
0xf9: {  	v4 =	vld [tilespmem:s31+$0x7800];
	v1 =	vmax.f32 v3, v1  }
0xfa: {  	[tilespmem:s11+$0x30] =	vst v1;
	s11 =	smov.u32 s10  }
0xfb: {  	v1 =	vld [tilespmem:s28+$0xFFFFFFD0]  }
0xfc: {  	v3 =	vld [tilespmem:s14+$0xFFFFFFD0];
	_ =	sdelay $0x1  }
0xfd: {  	v2 =	vadd.f32 v4, v2;
	_ =	sdelay $0x1  }
0xfe: {  	v4 =	vmul.f32 $9.999999770e-03, v2  }
0xff: {  	v1 =	vadd.f32 v1, v3  }
0x100: {  	v2 =	vmax.f32 v2, v4  }
0x101: {  	[tilespmem:s10+$0xFFFFFFC0] =	vst v2;
	v2 =	vmul.f32 $9.999999770e-03, v1  }
0x102: {  	v3 =	vld [tilespmem:s14+$0xFFFFFFE0]  }
0x103: {  	v4 =	vld [tilespmem:s28+$0xFFFFFFE0];
	v1 =	vmax.f32 v1, v2  }
0x104: {  	[tilespmem:s10+$0xFFFFFFD0] =	vst v1  }
0x105: {  	v1 =	vld [tilespmem:s28+$0xFFFFFFF0]  }
0x106: {  	v2 =	vld [tilespmem:s14+$0xFFFFFFF0];
	_ =	sdelay $0x1  }
0x107: {  	v3 =	vadd.f32 v4, v3;
	_ =	sdelay $0x1  }
0x108: {  	v4 =	vmul.f32 $9.999999770e-03, v3  }
0x109: {  	v1 =	vadd.f32 v1, v2  }
0x10a: {  	v2 =	vmax.f32 v3, v4  }
0x10b: {  	[tilespmem:s10+$0xFFFFFFE0] =	vst v2;
	v2 =	vmul.f32 $9.999999770e-03, v1  }
0x10c: {  	v3 =	vld [tilespmem:s14+$0x0]  }
0x10d: {  	v4 =	vld [tilespmem:s28+$0x0];
	v1 =	vmax.f32 v1, v2  }
0x10e: {  	[tilespmem:s10+$0xFFFFFFF0] =	vst v1  }
0x10f: {  	v1 =	vld [tilespmem:s28+$0x10]  }
0x110: {  	v2 =	vld [tilespmem:s14+$0x10];
	_ =	sdelay $0x1  }
0x111: {  	v3 =	vadd.f32 v4, v3;
	_ =	sdelay $0x1  }
0x112: {  	v4 =	vmul.f32 $9.999999770e-03, v3  }
0x113: {  	v5 =	vadd.f32 v1, v2  }
0x114: {  	v1 =	vmax.f32 v3, v4  }
0x115: {  	[tilespmem:s10+$0x0] =	vst v1;
	v3 =	vmul.f32 $9.999999770e-03, v5  }
0x116: {  	v1 =	vld [tilespmem:s14+$0x20]  }
.Ltmp4:
0x117: {  	v2 =	vld [tilespmem:s28+$0x20];
	v3 =	vmax.f32 v5, v3;
	(pc) =	sbr.rel @p2 .LBB2_7-.Ltmp4, $4  }
0x118: {  	[tilespmem:s10+$0x10] =	vst v3  }
0x119: {  	v3 =	vld [tilespmem:s14+$0x30]  }
0x11a: {  	v4 =	vld [tilespmem:s28+$0x30]  }
0x11b: {  	s14 =	sadd.s32 $0x80, s14;
	s28 =	sadd.s32 $0x80, s28  }
0x11c: {  	_ =	sdelay $0x1  }
0x11d: {  	v1 =	vadd.f32 v2, v1  }
0x11e: {  	v2 =	vadd.f32 v4, v3  }
0x11f: {  	v3 =	vmul.f32 $9.999999770e-03, v1  }
0x120: {  	v4 =	vmul.f32 $9.999999770e-03, v2  }
0x121: {  	v1 =	vmax.f32 v1, v3  }
0x122: {  	[tilespmem:s11+$0x20] =	vst v1;
	v1 =	vmax.f32 v2, v4  }
0x123: {  	s10 =	sadd.s32 @!p1 $0x280, s9;
	s12 =	simm.s32 @!p1 $0x5800;
	[tilespmem:s11+$0x30] =	vst v1;
	s11 =	simm.s32 @!p1 $0x80  }
0x124: {  	[tilespmem:s12], [sflag:$0x2] =	stream.indirect.gather @!p1 [hbm4b:s4+s11], $0x10, s10, s11, $0xb8;
	[tilespmem:$0xE000] =	vst v63  }
0x125: {  	s10 =	sadd.s32 @!p1 $0x2A80, s9;
	s12 =	simm.s32 @!p1 $0x7800  }
0x126: {  	[tilespmem:s12], [sflag:$0x2] =	stream.indirect.gather @!p1 [hbm4b:s5+s11], $0x10, s10, s11, $0xb8;
	[tilespmem:$0xE000] =	vst v63  }
0x127: {  	s14 =	sadd.s32 $0x80, s7  }
0x128: {  	[spmem:s2] =	stream.indirect.scatter.add.f32 [tilespmem:s22], [sflag:$0x6], $0x10, s14, s18, $0xb8;
	[tilespmem:$0xE000] =	vst v63  }
0x129: {  	_ =	swait.ge [sflag:s23], $0x800  }
0x12a: {  	[sflag:s23] =	ssyncset.done $0x0  }
0x12b: {  	[sflag:s23] =	ssyncadd.s32 $0xFFFFF800  }
0x12c: {  	_ =	swait.ge [sflag:s23], $0x800  }
0x12d: {  	[sflag:s23] =	ssyncset.done $0x0  }
0x12e: {  	s10 =	simm.s32 @!p0 $0x7;
	[sflag:s23] =	ssyncadd.s32 $0xFFFFF800  }
0x12f: {  	_ =	swait.ge @!p0 [sflag:s10], $0x800  }
0x130: {  	[sflag:s10] =	ssyncset.done @!p0 $0x0  }
0x131: {  	[sflag:s10] =	ssyncadd.s32 @!p0 $0xFFFFF800  }
0x132: {  	v1 =	vld [tilespmem:$0x6000]  }
0x133: {  	v2 =	vld [tilespmem:$0x8000]  }
0x134: {  	s31 =	simm.s32 $0x8040  }
0x135: {  	s14 =	simm.s32 $0x6040;
	v3 =	vld [tilespmem:s31+$0xFFFFFFD0]  }
0x136: {  	v4 =	vld [tilespmem:s14+$0xFFFFFFD0];
	_ =	sdelay $0x1  }
0x137: {  	v1 =	vadd.f32 v2, v1;
	_ =	sdelay $0x1  }
0x138: {  	v2 =	vmul.f32 $9.999999770e-03, v1  }
0x139: {  	v3 =	vadd.f32 v3, v4  }
0x13a: {  	s10 =	simm.s32 $0xA040;
	v1 =	vmax.f32 v1, v2  }
0x13b: {  	[tilespmem:s10+$0xFFFFFFC0] =	vst v1;
	v1 =	vmul.f32 $9.999999770e-03, v3  }
0x13c: {  	v2 =	vld [tilespmem:s14+$0xFFFFFFE0]  }
0x13d: {  	v4 =	vld [tilespmem:s31+$0xFFFFFFE0];
	v1 =	vmax.f32 v3, v1  }
0x13e: {  	[tilespmem:s10+$0xFFFFFFD0] =	vst v1  }
0x13f: {  	v1 =	vld [tilespmem:s31+$0xFFFFFFF0]  }
0x140: {  	v3 =	vld [tilespmem:s14+$0xFFFFFFF0];
	_ =	sdelay $0x1  }
0x141: {  	v2 =	vadd.f32 v4, v2;
	_ =	sdelay $0x1  }
0x142: {  	v4 =	vmul.f32 $9.999999770e-03, v2  }
0x143: {  	v1 =	vadd.f32 v1, v3  }
0x144: {  	v2 =	vmax.f32 v2, v4  }
0x145: {  	[tilespmem:s10+$0xFFFFFFE0] =	vst v2;
	v2 =	vmul.f32 $9.999999770e-03, v1  }
0x146: {  	v3 =	vld [tilespmem:s14+$0x0]  }
0x147: {  	v4 =	vld [tilespmem:s31+$0x0];
	v1 =	vmax.f32 v1, v2  }
0x148: {  	[tilespmem:s10+$0xFFFFFFF0] =	vst v1  }
0x149: {  	v1 =	vld [tilespmem:s31+$0x10]  }
0x14a: {  	v2 =	vld [tilespmem:s14+$0x10];
	_ =	sdelay $0x1  }
0x14b: {  	v3 =	vadd.f32 v4, v3;
	_ =	sdelay $0x1  }
0x14c: {  	v4 =	vmul.f32 $9.999999770e-03, v3  }
0x14d: {  	v5 =	vadd.f32 v1, v2  }
0x14e: {  	v1 =	vmax.f32 v3, v4  }
0x14f: {  	[tilespmem:s10+$0x0] =	vst v1;
	v3 =	vmul.f32 $9.999999770e-03, v5  }
0x150: {  	v1 =	vld [tilespmem:s14+$0x20]  }
0x151: {  	v2 =	vld [tilespmem:s31+$0x20];
	v3 =	vmax.f32 v5, v3  }
0x152: {  	[tilespmem:s10+$0x10] =	vst v3  }
0x153: {  	v3 =	vld [tilespmem:s14+$0x30]  }
0x154: {  	s13 =	simm.s32 $0x0;
	s28 =	simm.s32 $0x80C0;
	s29 =	simm.s32 $0x80;
	v4 =	vld [tilespmem:s31+$0x30]  }
0x155: {  	s12 =	simm.s32 $0x80;
	s11 =	simm.s32 $0xA040;
	s14 =	simm.s32 $0x60C0  }
.LBB2_9:
0x156: {  	s13 =	sadd.s32 $0x8, s13;
	v1 =	vadd.f32 v2, v1;
	s12 =	sadd.s32 $0x80, s12;
	s10 =	sadd.s32 $0x80, s10  }
0x157: {  	p2 =	slt.u32 s13, $0x78  }
0x158: {  	v2 =	vmul.f32 $9.999999770e-03, v1  }
0x159: {  	v3 =	vadd.f32 v4, v3  }
0x15a: {  	v1 =	vmax.f32 v1, v2  }
0x15b: {  	s31 =	sand.u32 $0x780, s29;
	s29 =	smov.u32 s12;
	[tilespmem:s11+$0x20] =	vst v1;
	v1 =	vmul.f32 $9.999999770e-03, v3  }
0x15c: {  	v2 =	vld [tilespmem:s31+$0x6000]  }
0x15d: {  	v4 =	vld [tilespmem:s31+$0x8000];
	v1 =	vmax.f32 v3, v1  }
0x15e: {  	[tilespmem:s11+$0x30] =	vst v1;
	s11 =	smov.u32 s10  }
0x15f: {  	v1 =	vld [tilespmem:s28+$0xFFFFFFD0]  }
0x160: {  	v3 =	vld [tilespmem:s14+$0xFFFFFFD0];
	_ =	sdelay $0x1  }
0x161: {  	v2 =	vadd.f32 v4, v2;
	_ =	sdelay $0x1  }
0x162: {  	v4 =	vmul.f32 $9.999999770e-03, v2  }
0x163: {  	v1 =	vadd.f32 v1, v3  }
0x164: {  	v2 =	vmax.f32 v2, v4  }
0x165: {  	[tilespmem:s10+$0xFFFFFFC0] =	vst v2;
	v2 =	vmul.f32 $9.999999770e-03, v1  }
0x166: {  	v3 =	vld [tilespmem:s14+$0xFFFFFFE0]  }
0x167: {  	v4 =	vld [tilespmem:s28+$0xFFFFFFE0];
	v1 =	vmax.f32 v1, v2  }
0x168: {  	[tilespmem:s10+$0xFFFFFFD0] =	vst v1  }
0x169: {  	v1 =	vld [tilespmem:s28+$0xFFFFFFF0]  }
0x16a: {  	v2 =	vld [tilespmem:s14+$0xFFFFFFF0];
	_ =	sdelay $0x1  }
0x16b: {  	v3 =	vadd.f32 v4, v3;
	_ =	sdelay $0x1  }
0x16c: {  	v4 =	vmul.f32 $9.999999770e-03, v3  }
0x16d: {  	v1 =	vadd.f32 v1, v2  }
0x16e: {  	v2 =	vmax.f32 v3, v4  }
0x16f: {  	[tilespmem:s10+$0xFFFFFFE0] =	vst v2;
	v2 =	vmul.f32 $9.999999770e-03, v1  }
0x170: {  	v3 =	vld [tilespmem:s14+$0x0]  }
0x171: {  	v4 =	vld [tilespmem:s28+$0x0];
	v1 =	vmax.f32 v1, v2  }
0x172: {  	[tilespmem:s10+$0xFFFFFFF0] =	vst v1  }
0x173: {  	v1 =	vld [tilespmem:s28+$0x10]  }
0x174: {  	v2 =	vld [tilespmem:s14+$0x10];
	_ =	sdelay $0x1  }
0x175: {  	v3 =	vadd.f32 v4, v3;
	_ =	sdelay $0x1  }
0x176: {  	v4 =	vmul.f32 $9.999999770e-03, v3  }
0x177: {  	v5 =	vadd.f32 v1, v2  }
0x178: {  	v1 =	vmax.f32 v3, v4  }
0x179: {  	[tilespmem:s10+$0x0] =	vst v1;
	v3 =	vmul.f32 $9.999999770e-03, v5  }
0x17a: {  	v1 =	vld [tilespmem:s14+$0x20]  }
.Ltmp5:
0x17b: {  	v2 =	vld [tilespmem:s28+$0x20];
	v3 =	vmax.f32 v5, v3;
	(pc) =	sbr.rel @p2 .LBB2_9-.Ltmp5, $4  }
0x17c: {  	[tilespmem:s10+$0x10] =	vst v3  }
0x17d: {  	v3 =	vld [tilespmem:s14+$0x30]  }
0x17e: {  	v4 =	vld [tilespmem:s28+$0x30]  }
0x17f: {  	s14 =	sadd.s32 $0x80, s14;
	s28 =	sadd.s32 $0x80, s28  }
0x180: {  	_ =	sdelay $0x1  }
0x181: {  	v1 =	vadd.f32 v2, v1  }
0x182: {  	v2 =	vadd.f32 v4, v3  }
0x183: {  	v3 =	vmul.f32 $9.999999770e-03, v1  }
0x184: {  	v4 =	vmul.f32 $9.999999770e-03, v2  }
0x185: {  	v1 =	vmax.f32 v1, v3  }
0x186: {  	[tilespmem:s11+$0x20] =	vst v1;
	v1 =	vmax.f32 v2, v4  }
0x187: {  	s10 =	sadd.s32 @!p1 $0x300, s9;
	s12 =	simm.s32 @!p1 $0x6000;
	[tilespmem:s11+$0x30] =	vst v1;
	s11 =	simm.s32 @!p1 $0x80  }
0x188: {  	[tilespmem:s12], [sflag:$0x3] =	stream.indirect.gather @!p1 [hbm4b:s4+s11], $0x10, s10, s11, $0xb8;
	[tilespmem:$0xE000] =	vst v63  }
0x189: {  	s9 =	sadd.s32 @!p1 $0x2B00, s9;
	s10 =	simm.s32 @!p1 $0x8000  }
0x18a: {  	[tilespmem:s10], [sflag:$0x3] =	stream.indirect.gather @!p1 [hbm4b:s5+s11], $0x10, s9, s11, $0xb8;
	[tilespmem:$0xE000] =	vst v63  }
0x18b: {  	s29 =	sadd.s32 $0x100, s7  }
0x18c: {  	[spmem:s2] =	stream.indirect.scatter.add.f32 [tilespmem:s24], [sflag:$0x7], $0x10, s29, s18, $0xb8;
	[tilespmem:$0xE000] =	vst v63  }
0x18d: {  	_ =	swait.ge [sflag:s25], $0x800  }
0x18e: {  	[sflag:s25] =	ssyncset.done $0x0  }
0x18f: {  	[sflag:s25] =	ssyncadd.s32 $0xFFFFF800  }
0x190: {  	_ =	swait.ge [sflag:s25], $0x800  }
0x191: {  	[sflag:s25] =	ssyncset.done $0x0  }
0x192: {  	s9 =	simm.s32 @!p0 $0x8;
	[sflag:s25] =	ssyncadd.s32 $0xFFFFF800  }
0x193: {  	_ =	swait.ge @!p0 [sflag:s9], $0x800  }
0x194: {  	[sflag:s9] =	ssyncset.done @!p0 $0x0  }
0x195: {  	[sflag:s9] =	ssyncadd.s32 @!p0 $0xFFFFF800  }
0x196: {  	v1 =	vld [tilespmem:$0x6800]  }
0x197: {  	v2 =	vld [tilespmem:$0x8800]  }
0x198: {  	s31 =	simm.s32 $0x8840  }
0x199: {  	s13 =	simm.s32 $0x6840;
	v3 =	vld [tilespmem:s31+$0xFFFFFFD0]  }
0x19a: {  	v4 =	vld [tilespmem:s13+$0xFFFFFFD0];
	_ =	sdelay $0x1  }
0x19b: {  	v1 =	vadd.f32 v2, v1;
	_ =	sdelay $0x1  }
0x19c: {  	v2 =	vmul.f32 $9.999999770e-03, v1  }
0x19d: {  	v3 =	vadd.f32 v3, v4  }
0x19e: {  	s9 =	simm.s32 $0xA840;
	v1 =	vmax.f32 v1, v2  }
0x19f: {  	[tilespmem:s9+$0xFFFFFFC0] =	vst v1;
	v1 =	vmul.f32 $9.999999770e-03, v3  }
0x1a0: {  	v2 =	vld [tilespmem:s13+$0xFFFFFFE0]  }
0x1a1: {  	v4 =	vld [tilespmem:s31+$0xFFFFFFE0];
	v1 =	vmax.f32 v3, v1  }
0x1a2: {  	[tilespmem:s9+$0xFFFFFFD0] =	vst v1  }
0x1a3: {  	v1 =	vld [tilespmem:s31+$0xFFFFFFF0]  }
0x1a4: {  	v3 =	vld [tilespmem:s13+$0xFFFFFFF0];
	_ =	sdelay $0x1  }
0x1a5: {  	v2 =	vadd.f32 v4, v2;
	_ =	sdelay $0x1  }
0x1a6: {  	v4 =	vmul.f32 $9.999999770e-03, v2  }
0x1a7: {  	v1 =	vadd.f32 v1, v3  }
0x1a8: {  	v2 =	vmax.f32 v2, v4  }
0x1a9: {  	[tilespmem:s9+$0xFFFFFFE0] =	vst v2;
	v2 =	vmul.f32 $9.999999770e-03, v1  }
0x1aa: {  	v3 =	vld [tilespmem:s13+$0x0]  }
0x1ab: {  	v4 =	vld [tilespmem:s31+$0x0];
	v1 =	vmax.f32 v1, v2  }
0x1ac: {  	[tilespmem:s9+$0xFFFFFFF0] =	vst v1  }
0x1ad: {  	v1 =	vld [tilespmem:s31+$0x10]  }
0x1ae: {  	v2 =	vld [tilespmem:s13+$0x10];
	_ =	sdelay $0x1  }
0x1af: {  	v3 =	vadd.f32 v4, v3;
	_ =	sdelay $0x1  }
0x1b0: {  	v4 =	vmul.f32 $9.999999770e-03, v3  }
0x1b1: {  	v5 =	vadd.f32 v1, v2  }
0x1b2: {  	v1 =	vmax.f32 v3, v4  }
0x1b3: {  	[tilespmem:s9+$0x0] =	vst v1;
	v3 =	vmul.f32 $9.999999770e-03, v5  }
0x1b4: {  	v1 =	vld [tilespmem:s13+$0x20]  }
0x1b5: {  	v2 =	vld [tilespmem:s31+$0x20];
	v3 =	vmax.f32 v5, v3  }
0x1b6: {  	[tilespmem:s9+$0x10] =	vst v3  }
0x1b7: {  	v3 =	vld [tilespmem:s13+$0x30]  }
0x1b8: {  	s14 =	simm.s32 $0x88C0;
	s28 =	simm.s32 $0x80;
	s12 =	simm.s32 $0x0;
	v4 =	vld [tilespmem:s31+$0x30]  }
0x1b9: {  	s11 =	simm.s32 $0x80;
	s10 =	simm.s32 $0xA840;
	s13 =	simm.s32 $0x68C0  }
.LBB2_11:
0x1ba: {  	s12 =	sadd.s32 $0x8, s12;
	v1 =	vadd.f32 v2, v1;
	s11 =	sadd.s32 $0x80, s11;
	s9 =	sadd.s32 $0x80, s9  }
0x1bb: {  	p0 =	slt.u32 s12, $0x78  }
0x1bc: {  	v2 =	vmul.f32 $9.999999770e-03, v1  }
0x1bd: {  	v3 =	vadd.f32 v4, v3  }
0x1be: {  	v1 =	vmax.f32 v1, v2  }
0x1bf: {  	s29 =	sand.u32 $0x780, s28;
	s28 =	smov.u32 s11;
	[tilespmem:s10+$0x20] =	vst v1;
	v1 =	vmul.f32 $9.999999770e-03, v3  }
0x1c0: {  	v2 =	vld [tilespmem:s29+$0x6800]  }
0x1c1: {  	v4 =	vld [tilespmem:s29+$0x8800];
	v1 =	vmax.f32 v3, v1  }
0x1c2: {  	[tilespmem:s10+$0x30] =	vst v1;
	s10 =	smov.u32 s9  }
0x1c3: {  	v1 =	vld [tilespmem:s14+$0xFFFFFFD0]  }
0x1c4: {  	v3 =	vld [tilespmem:s13+$0xFFFFFFD0];
	_ =	sdelay $0x1  }
0x1c5: {  	v2 =	vadd.f32 v4, v2;
	_ =	sdelay $0x1  }
0x1c6: {  	v4 =	vmul.f32 $9.999999770e-03, v2  }
0x1c7: {  	v1 =	vadd.f32 v1, v3  }
0x1c8: {  	v2 =	vmax.f32 v2, v4  }
0x1c9: {  	[tilespmem:s9+$0xFFFFFFC0] =	vst v2;
	v2 =	vmul.f32 $9.999999770e-03, v1  }
0x1ca: {  	v3 =	vld [tilespmem:s13+$0xFFFFFFE0]  }
0x1cb: {  	v4 =	vld [tilespmem:s14+$0xFFFFFFE0];
	v1 =	vmax.f32 v1, v2  }
0x1cc: {  	[tilespmem:s9+$0xFFFFFFD0] =	vst v1  }
0x1cd: {  	v1 =	vld [tilespmem:s14+$0xFFFFFFF0]  }
0x1ce: {  	v2 =	vld [tilespmem:s13+$0xFFFFFFF0];
	_ =	sdelay $0x1  }
0x1cf: {  	v3 =	vadd.f32 v4, v3;
	_ =	sdelay $0x1  }
0x1d0: {  	v4 =	vmul.f32 $9.999999770e-03, v3  }
0x1d1: {  	v1 =	vadd.f32 v1, v2  }
0x1d2: {  	v2 =	vmax.f32 v3, v4  }
0x1d3: {  	[tilespmem:s9+$0xFFFFFFE0] =	vst v2;
	v2 =	vmul.f32 $9.999999770e-03, v1  }
0x1d4: {  	v3 =	vld [tilespmem:s13+$0x0]  }
0x1d5: {  	v4 =	vld [tilespmem:s14+$0x0];
	v1 =	vmax.f32 v1, v2  }
0x1d6: {  	[tilespmem:s9+$0xFFFFFFF0] =	vst v1  }
0x1d7: {  	v1 =	vld [tilespmem:s14+$0x10]  }
0x1d8: {  	v2 =	vld [tilespmem:s13+$0x10];
	_ =	sdelay $0x1  }
0x1d9: {  	v3 =	vadd.f32 v4, v3;
	_ =	sdelay $0x1  }
0x1da: {  	v4 =	vmul.f32 $9.999999770e-03, v3  }
0x1db: {  	v5 =	vadd.f32 v1, v2  }
0x1dc: {  	v1 =	vmax.f32 v3, v4  }
0x1dd: {  	[tilespmem:s9+$0x0] =	vst v1;
	v3 =	vmul.f32 $9.999999770e-03, v5  }
0x1de: {  	v1 =	vld [tilespmem:s13+$0x20]  }
.Ltmp6:
0x1df: {  	v2 =	vld [tilespmem:s14+$0x20];
	v3 =	vmax.f32 v5, v3;
	(pc) =	sbr.rel @p0 .LBB2_11-.Ltmp6, $4  }
0x1e0: {  	[tilespmem:s9+$0x10] =	vst v3  }
0x1e1: {  	v3 =	vld [tilespmem:s13+$0x30]  }
0x1e2: {  	v4 =	vld [tilespmem:s14+$0x30]  }
0x1e3: {  	s13 =	sadd.s32 $0x80, s13;
	s14 =	sadd.s32 $0x80, s14  }
0x1e4: {  	_ =	sdelay $0x1  }
0x1e5: {  	v1 =	vadd.f32 v2, v1  }
0x1e6: {  	v2 =	vadd.f32 v4, v3  }
.Ltmp7:
0x1e7: {  	v3 =	vmul.f32 $9.999999770e-03, v1;
	(pc) =	sbr.rel @p1 .LBB2_14-.Ltmp7, $4  }
0x1e8: {  	v4 =	vmul.f32 $9.999999770e-03, v2  }
0x1e9: {  	v1 =	vmax.f32 v1, v3  }
0x1ea: {  	[tilespmem:s10+$0x20] =	vst v1;
	v1 =	vmax.f32 v2, v4  }
0x1eb: {  	s7 =	sadd.s32 $0x180, s7;
	[tilespmem:s10+$0x30] =	vst v1  }
0x1ec: {  	s9 =	sadd.s32 $0x380, s6  }
0x1ed: {  	[tilespmem:s30], [sflag:$0x4] =	stream.indirect.gather [hbm4b:s4+s18], $0x10, s9, s18, $0xb8;
	[tilespmem:$0xE000] =	vst v63  }
.Ltmp8:
0x1ee: {  	_ = 	snop;
	(pc) =	sbr.rel .LBB2_4-.Ltmp8, $4  }
0x1ef: {  	s31 =	sadd.s32 $0x2B80, s6  }
0x1f0: {  	[tilespmem:s0], [sflag:$0x4] =	stream.indirect.gather [hbm4b:s5+s18], $0x10, s31, s18, $0xb8;
	[tilespmem:$0xE000] =	vst v63  }
0x1f1: {  	s16 =	sadd.s32 $0x1, s16  }
0x1f2: {  	[spmem:s2] =	stream.indirect.scatter.add.f32 [tilespmem:s26], [sflag:$0x8], $0x10, s7, s18, $0xb8;
	[tilespmem:$0xE000] =	vst v63  }
.LBB2_15:
0x1f3: {  	_ =	sfence.sel $0x180000  }
0x1f4: {  	[bflag:$0x0] =	sbarrier.arrive $0xFFFF  }
0x1f5: {  	_ =	strace $0x90000047  }
0x1f6: {  	s0 =	stileid.u32;
	[bflag:$0x2] =	sbarrier.arrive $0xFFFF  }
0x1f7: {  	p0 =	sne.s32 s0, $0x0;
	s0 =	rddreg [dreg:$0x2]  }
0x1f8: {  	s0 =	sadd.s32 @!p0 $0x100000, s0  }
0x1f9: {  	[sflag:s0] =	ssyncadd.tile.s32 @!p0 $0x1;
	_ =	shalt  }
.Lfunc_end2:
_tile_overlayer_lowered:
.L_overlay_start_2:
0x1fa: {  	(tag) =	ssettag $0x2  }
0x1fb: {  	s0 =	rddreg [dreg:$0x0];
	s2 =	stileid.u32  }
0x1fc: {  	s1 =	rddreg [dreg:$0x1];
	p0 =	sne.s32 s2, $0x0  }
0x1fd: {  	s3 =	rddreg [dreg:$0x2];
	[bflag:$0x3] =	sbarrier.arrive $0xFFFF;
	s2 =	simm.s32 @!p0 $0x1C09  }
0x1fe: {  	[timem:s3], [sflag:s2] =	dma.local @!p0 [hbm:s0], s1  }
0x1ff: {  	s0 =	simm.s32 @!p0 $0x9  }
0x200: {  	_ =	swait.ge @!p0 [sflag:s0], s1  }
0x201: {  	s1 =	ssub.s32 @!p0 $0x0, s1;
	[sflag:s0] =	ssyncset.done @!p0 $0x0  }
0x202: {  	[sflag:s0] =	ssyncadd.s32 @!p0 s1  }
0x203: {  	[bflag:$0x3] =	sbarrier.arrive $0xFFFF  }
0x204: {  	_ =	shalt  }

</sc_bundles>
